<compile_context>
chip_gen: v7x
topology: tpu7x:2x2x1
jax: 0.10.2.dev20260603
libtpu: 0.0.44.dev20260713+nightly
codegen_flags: <defaults>
</compile_context>

<pallas_src>
import functools

import jax
import jax.numpy as jnp
from jax import lax
from jax.experimental import pallas as pl
from jax.experimental.pallas import tpu as pltpu
from jax.experimental.pallas import tpu_sc as plsc

DIM = 64
NUM_ITEM = 1000
NI_PAD = 1024
BATCH = 1024

_NC, _NS = 2, 16
_NW = _NC * _NS


def _make_sc_gather(n_rows: int):
    b_per_w = n_rows // _NW
    mesh = plsc.VectorSubcoreMesh(core_axis_name="c", subcore_axis_name="s")

    @functools.partial(
        pl.kernel,
        mesh=mesh,
        out_type=jax.ShapeDtypeStruct((n_rows, DIM), jnp.float32),
        scratch_types=[
            pltpu.VMEM((b_per_w,), jnp.int32),
            pltpu.VMEM((b_per_w, 8, DIM), jnp.float32),
            pltpu.VMEM((b_per_w, DIM), jnp.float32),
            pltpu.SemaphoreType.DMA,
        ],
    )
    def gk(idx_hbm, out_hbm, grp_v, rows_v, out_v, sem):
        wid = lax.axis_index("s") * _NC + lax.axis_index("c")
        base = wid * b_per_w
        pltpu.sync_copy(idx_hbm.at[pl.ds(base, b_per_w)], grp_v)
        pltpu.sync_copy(out_v, out_hbm.at[pl.ds(base, b_per_w)])

    return gk


_gather_cache = {}


def _sc_gather(idx):
    n = idx.shape[0]
    if n not in _gather_cache:
        _gather_cache[n] = _make_sc_gather(n)
    return _gather_cache[n](idx)


_BB = 128
_IT = 256


def _dense_body(table_ref, u_ref, it_ref, at_ref, buy_ref, rank_ref, pred_ref,
                tbuf, tsem):
    @pl.when(jnp.logical_and(pl.program_id(0) == 0, pl.program_id(1) == 0))
    def _():
        pltpu.make_async_copy(table_ref.at[pl.ds(0, 8)], tbuf, tsem).start()
        pltpu.make_async_copy(table_ref.at[pl.ds(0, 8)], tbuf, tsem).wait()
    j = pl.program_id(1)
    u = u_ref[...]
    at = at_ref[...]
    buy = buy_ref[0:1, :]
    up = u + buy

    acc = jnp.zeros((_BB, _IT), jnp.float32)
    for d in range(DIM):
        col = up[:, d:d + 1]
        row = at[d:d + 1, :]
        acc = acc + jnp.abs(col - row)

    scores = jnp.dot(u, at, preferred_element_type=jnp.float32)
    rank_ref[...] = jax.nn.sigmoid(acc + scores)

    @pl.when(j == 0)
    def _():
        it = it_ref[...]
        ps = jnp.sum(u * it, axis=1)
        pd = jnp.sum(jnp.abs(up - it), axis=1)
        pred_ref[...] = jax.nn.sigmoid(pd + ps)


def _dense(entity_table, user_embed, item_embed, a_t, buy8):
    grid = (BATCH // _BB, NI_PAD // _IT)
    rank, pred = pl.pallas_call(
        _dense_body,
        grid=grid,
        in_specs=[
            pl.BlockSpec(memory_space=pltpu.HBM),
            pl.BlockSpec((_BB, DIM), lambda i, j: (i, 0)),
            pl.BlockSpec((_BB, DIM), lambda i, j: (i, 0)),
            pl.BlockSpec((DIM, _IT), lambda i, j: (0, j)),
            pl.BlockSpec((8, DIM), lambda i, j: (0, 0)),
        ],
        out_specs=[
            pl.BlockSpec((_BB, _IT), lambda i, j: (i, j)),
            pl.BlockSpec((_BB,), lambda i, j: (i,)),
        ],
        out_shape=[
            jax.ShapeDtypeStruct((BATCH, NI_PAD), jnp.float32),
            jax.ShapeDtypeStruct((BATCH,), jnp.float32),
        ],
        scratch_shapes=[
            pltpu.VMEM((8, DIM), jnp.float32),
            pltpu.SemaphoreType.DMA,
        ],
    )(entity_table, user_embed, item_embed, a_t, buy8)
    return rank, pred


def kernel(users, items, entity_table, relation_table):
    users = users.astype(jnp.int32)
    items = items.astype(jnp.int32)
    idx = jnp.concatenate([users, items])
    gathered = _sc_gather(idx)
    user_embed = gathered[:BATCH]
    item_embed = gathered[BATCH:]

    all_items = entity_table[:NUM_ITEM]
    a_t = jnp.zeros((DIM, NI_PAD), jnp.float32).at[:, :NUM_ITEM].set(all_items.T)
    buy8 = jnp.broadcast_to(relation_table[-1], (8, DIM))

    rank, pred = _dense(entity_table, user_embed, item_embed, a_t, buy8)
    return (pred, rank[:, :NUM_ITEM])

# --- scband reference (transcript-rebuilt; emitter-appended) ---
"""Pipeline reference for scband-chkgat-35450660061923 (READ-ONLY COPY).

The authoritative reference and input builder live on the scoring server;
editing this copy changes nothing except your own understanding.
"""

import jax, jax.numpy as jnp
import numpy as np

NUM_ENTITY = 1000000
NUM_RELATION = 64
NUM_ITEM = 1000
DIM = 64
BATCH = 1024


def setup_inputs(seed: int = 0) -> dict:
    key = jax.random.key(seed)
    k1, k2, k3, k4 = jax.random.split(key, 4)
    users = jax.random.randint(k1, (BATCH,), 0, NUM_ENTITY)
    items = jax.random.randint(k2, (BATCH,), 0, NUM_ITEM)
    entity_table = jax.random.normal(k3, (NUM_ENTITY, DIM), dtype=jnp.float32) * 0.02
    relation_table = jax.random.normal(k4, (NUM_RELATION, DIM), dtype=jnp.float32) * 0.02
    return {"users": users, "items": items, "entity_table": entity_table, "relation_table": relation_table}


def reference(users, items, entity_table, relation_table):
    batch = users.shape[0]
    # embedding lookups (SparseCore gathers)
    user_embed = jnp.take(entity_table, users, axis=0)
    item_embed = jnp.take(entity_table, items, axis=0)
    # 'buy' relation: last relation id repeated for the batch
    buy = jnp.broadcast_to(relation_table[NUM_RELATION - 1], (batch, DIM))
    all_items = entity_table[:NUM_ITEM]
    # pointwise scores: matmul then diagonal (faithful to torch code)
    scores = jnp.diagonal(jnp.matmul(user_embed, item_embed.T))
    # translational L1 distance (TransE-style)
    distance = jnp.sum(jnp.abs(user_embed + buy - item_embed), axis=1)
    total_scores = distance + scores
    predict = jax.nn.sigmoid(total_scores)
    # full-catalog ranking
    ranking_scores = jnp.matmul(user_embed, all_items.T)
    ranking_distance = jnp.sum(
        jnp.abs(user_embed[:, None, :] + buy[:, None, :] - all_items[None, :, :]), axis=-1
    )
    total_ranking_scores = ranking_distance + ranking_scores
    ranking_predict = jax.nn.sigmoid(total_ranking_scores)
    return (predict, ranking_predict)

if __name__ == "__main__":
    import jax
    _d = setup_inputs()
    print(jax.jit(kernel)(*tuple(_d.values())))

</pallas_src>

<mosaic_0001>
#map = affine_map<(d0, d1) -> (0)>
#map1 = affine_map<(d0, d1) -> (0, 0)>
module attributes {stable_mosaic.version = 14 : i64} {
  func.func @gk(%arg0: i32, %arg1: i32, %arg2: memref<2048xi32, #tpu.memory_space<hbm>>, %arg3: memref<2048x64xf32, #tpu.memory_space<hbm>>, %arg4: memref<64xi32, #tpu.memory_space<vmem>>, %arg5: memref<64x8x64xf32, #tpu.memory_space<vmem>>, %arg6: memref<64x64xf32, #tpu.memory_space<vmem>>, %arg7: memref<!tpu.dma_semaphore, #tpu.memory_space<semaphore_mem>>) attributes {dimension_semantics = [#tpu.dimension_semantics<core_parallel>, #tpu.dimension_semantics<subcore_parallel>], iteration_bounds = array<i64: 2, 16>, scalar_prefetch = 0 : i64, scratch_operands = 4 : i64, tpu.core_type = #tpu.core_type<sc_vector_subcore>, window_params = [{transform_indices = #map}, {transform_indices = #map1}]} {
    %mul3A = arith.constant 2 : i32
    %mul3A_0 = arith.muli %arg1, %mul3A : i32
    %add3A = arith.addi %mul3A_0, %arg0 : i32
    %mul3A_1 = arith.constant 64 : i32
    %mul3A_2 = arith.muli %add3A, %mul3A_1 : i32
    "tpu.region"() ({
      %run_scoped3A = tpu.sem_alloc : memref<!tpu.dma_semaphore, #tpu.memory_space<semaphore_mem>>
      %dma_start3A = tpu.memref_slice %arg2[%mul3A_2] : memref<2048xi32, #tpu.memory_space<hbm>> -> memref<64xi32, #tpu.memory_space<hbm>>
      %dma_start3A_3 = tpu.memref_slice %arg2[%mul3A_2] : memref<2048xi32, #tpu.memory_space<hbm>> -> memref<64xi32, #tpu.memory_space<hbm>>
      tpu.enqueue_dma source(%dma_start3A_3 : memref<64xi32, #tpu.memory_space<hbm>>) target(%arg4 : memref<64xi32, #tpu.memory_space<vmem>>) target_semaphore(%run_scoped3A : memref<!tpu.dma_semaphore, #tpu.memory_space<semaphore_mem>>)
      %dma_wait3A = tpu.memref_slice %arg2[%mul3A_2] : memref<2048xi32, #tpu.memory_space<hbm>> -> memref<64xi32, #tpu.memory_space<hbm>>
      %dma_wait3A_4 = tpu.memref_slice %arg2[%mul3A_2] : memref<2048xi32, #tpu.memory_space<hbm>> -> memref<64xi32, #tpu.memory_space<hbm>>
      tpu.wait_dma2 semaphore(%run_scoped3A : memref<!tpu.dma_semaphore, #tpu.memory_space<semaphore_mem>>) src(%dma_wait3A_4 : memref<64xi32, #tpu.memory_space<hbm>>) dst(%arg4 : memref<64xi32, #tpu.memory_space<vmem>>)
      tpu.yield
    }) : () -> ()
    "tpu.region"() ({
      %run_scoped3A = tpu.sem_alloc : memref<!tpu.dma_semaphore, #tpu.memory_space<semaphore_mem>>
      %dma_start3A = arith.constant 0 : i32
      %dma_start3A_3 = tpu.memref_slice %arg3[%mul3A_2, %dma_start3A] : memref<2048x64xf32, #tpu.memory_space<hbm>> -> memref<64x64xf32, #tpu.memory_space<hbm>>
      %dma_start3A_4 = arith.constant 0 : i32
      %dma_start3A_5 = tpu.memref_slice %arg3[%mul3A_2, %dma_start3A_4] : memref<2048x64xf32, #tpu.memory_space<hbm>> -> memref<64x64xf32, #tpu.memory_space<hbm>>
      tpu.enqueue_dma source(%arg6 : memref<64x64xf32, #tpu.memory_space<vmem>>) target(%dma_start3A_5 : memref<64x64xf32, #tpu.memory_space<hbm>>) target_semaphore(%run_scoped3A : memref<!tpu.dma_semaphore, #tpu.memory_space<semaphore_mem>>)
      %dma_wait3A = arith.constant 0 : i32
      %dma_wait3A_6 = tpu.memref_slice %arg3[%mul3A_2, %dma_wait3A] : memref<2048x64xf32, #tpu.memory_space<hbm>> -> memref<64x64xf32, #tpu.memory_space<hbm>>
      %dma_wait3A_7 = arith.constant 0 : i32
      %dma_wait3A_8 = tpu.memref_slice %arg3[%mul3A_2, %dma_wait3A_7] : memref<2048x64xf32, #tpu.memory_space<hbm>> -> memref<64x64xf32, #tpu.memory_space<hbm>>
      tpu.wait_dma2 semaphore(%run_scoped3A : memref<!tpu.dma_semaphore, #tpu.memory_space<semaphore_mem>>) src(%arg6 : memref<64x64xf32, #tpu.memory_space<vmem>>) dst(%dma_wait3A_8 : memref<64x64xf32, #tpu.memory_space<hbm>>)
      tpu.yield
    }) : () -> ()
    return
  }
}

module attributes {stable_mosaic.version = 14 : i64} {
  func.func @_dense_body(%arg0: i32, %arg1: i32, %arg2: memref<1000000x64xf32, #tpu.memory_space<hbm>>, %arg3: memref<128x64xf32, #tpu.memory_space<vmem>>, %arg4: memref<128x64xf32, #tpu.memory_space<vmem>>, %arg5: memref<64x256xf32, #tpu.memory_space<vmem>>, %arg6: memref<8x64xf32, #tpu.memory_space<vmem>>, %arg7: memref<128x256xf32, #tpu.memory_space<vmem>>, %arg8: memref<128xf32, #tpu.memory_space<vmem>>, %arg9: memref<8x64xf32, #tpu.memory_space<vmem>>, %arg10: memref<!tpu.dma_semaphore, #tpu.memory_space<semaphore_mem>>) attributes {dimension_semantics = [#tpu.dimension_semantics<arbitrary>, #tpu.dimension_semantics<arbitrary>], iteration_bounds = array<i64: 8, 4>, scalar_prefetch = 0 : i64, scratch_operands = 2 : i64, tpu.core_type = #tpu.core_type<tc>, window_params = [{}, {transform_indices = @transform_1, window_bounds = array<i64: 128, 64>}, {transform_indices = @transform_2, window_bounds = array<i64: 128, 64>}, {transform_indices = @transform_3, window_bounds = array<i64: 64, 256>}, {pipeline_mode = #tpu.pipeline_mode<synchronous>, transform_indices = @transform_4, window_bounds = array<i64: 8, 64>}, {transform_indices = @transform_5, window_bounds = array<i64: 128, 256>}, {transform_indices = @transform_6, window_bounds = array<i64: 128>}]} {
    %eq3A = arith.constant 0 : i32
    %eq3A_0 = arith.cmpi eq, %arg0, %eq3A : i32
    %eq3A_1 = arith.constant 0 : i32
    %eq3A_2 = arith.cmpi eq, %arg1, %eq3A_1 : i32
    %and3A = arith.andi %eq3A_0, %eq3A_2 : i1
    %convert_element_type3A = arith.extui %and3A : i1 to i32
    %cond3A = arith.constant 0 : i32
    %cond3A_3 = arith.cmpi ne, %convert_element_type3A, %cond3A : i32
    scf.if %cond3A_3 {
      %dma_start3A = arith.constant 0 : i32
      %dma_start3A_473 = arith.constant 0 : i32
      %dma_start3A_474 = tpu.memref_slice %arg2[%dma_start3A, %dma_start3A_473] : memref<1000000x64xf32, #tpu.memory_space<hbm>> -> memref<8x64xf32, #tpu.memory_space<hbm>>
      tpu.enqueue_dma source(%dma_start3A_474 : memref<8x64xf32, #tpu.memory_space<hbm>>) target(%arg9 : memref<8x64xf32, #tpu.memory_space<vmem>>) target_semaphore(%arg10 : memref<!tpu.dma_semaphore, #tpu.memory_space<semaphore_mem>>)
      %dma_wait3A = arith.constant 0 : i32
      %dma_wait3A_475 = arith.constant 0 : i32
      %dma_wait3A_476 = tpu.memref_slice %arg2[%dma_wait3A, %dma_wait3A_475] : memref<1000000x64xf32, #tpu.memory_space<hbm>> -> memref<8x64xf32, #tpu.memory_space<hbm>>
      tpu.wait_dma2 semaphore(%arg10 : memref<!tpu.dma_semaphore, #tpu.memory_space<semaphore_mem>>) src(%dma_wait3A_476 : memref<8x64xf32, #tpu.memory_space<hbm>>) dst(%arg9 : memref<8x64xf32, #tpu.memory_space<vmem>>)
    } else {
    }
    %get3A = arith.constant 0 : index
    %get3A_4 = arith.constant 0 : index
    %get3A_5 = vector.load %arg3[%get3A, %get3A_4] : memref<128x64xf32, #tpu.memory_space<vmem>>, vector<128x64xf32>
    %get3A_6 = arith.constant 0 : index
    %get3A_7 = arith.constant 0 : index
    %get3A_8 = vector.load %arg5[%get3A_6, %get3A_7] : memref<64x256xf32, #tpu.memory_space<vmem>>, vector<64x256xf32>
    %get3A_9 = arith.constant 0 : index
    %get3A_10 = arith.constant 0 : index
    %get3A_11 = vector.load %arg6[%get3A_9, %get3A_10] : memref<8x64xf32, #tpu.memory_space<vmem>>, vector<1x64xf32>
    %add3A = vector.broadcast %get3A_11 : vector<1x64xf32> to vector<128x64xf32>
    %add3A_12 = arith.addf %get3A_5, %add3A : vector<128x64xf32>
    %broadcast_in_dim3A = arith.constant 0.000000e+00 : f32
    %broadcast_in_dim3A_13 = vector.broadcast %broadcast_in_dim3A : f32 to vector<128x256xf32>
    %slice3A = vector.extract_strided_slice %add3A_12 {offsets = [0, 0], sizes = [128, 1], strides = [1, 1]} : vector<128x64xf32> to vector<128x1xf32>
    %slice3A_14 = vector.extract_strided_slice %get3A_8 {offsets = [0, 0], sizes = [1, 256], strides = [1, 1]} : vector<64x256xf32> to vector<1x256xf32>
    %sub3A = vector.broadcast %slice3A : vector<128x1xf32> to vector<128x256xf32>
    %sub3A_15 = vector.broadcast %slice3A_14 : vector<1x256xf32> to vector<128x256xf32>
    %sub3A_16 = arith.subf %sub3A, %sub3A_15 : vector<128x256xf32>
    %abs3A = math.absf %sub3A_16 : vector<128x256xf32>
    %add3A_17 = arith.addf %broadcast_in_dim3A_13, %abs3A : vector<128x256xf32>
    %slice3A_18 = vector.extract_strided_slice %add3A_12 {offsets = [0, 1], sizes = [128, 1], strides = [1, 1]} : vector<128x64xf32> to vector<128x1xf32>
    %slice3A_19 = vector.extract_strided_slice %get3A_8 {offsets = [1, 0], sizes = [1, 256], strides = [1, 1]} : vector<64x256xf32> to vector<1x256xf32>
    %sub3A_20 = vector.broadcast %slice3A_18 : vector<128x1xf32> to vector<128x256xf32>
    %sub3A_21 = vector.broadcast %slice3A_19 : vector<1x256xf32> to vector<128x256xf32>
    %sub3A_22 = arith.subf %sub3A_20, %sub3A_21 : vector<128x256xf32>
    %abs3A_23 = math.absf %sub3A_22 : vector<128x256xf32>
    %add3A_24 = arith.addf %add3A_17, %abs3A_23 : vector<128x256xf32>
    %slice3A_25 = vector.extract_strided_slice %add3A_12 {offsets = [0, 2], sizes = [128, 1], strides = [1, 1]} : vector<128x64xf32> to vector<128x1xf32>
    %slice3A_26 = vector.extract_strided_slice %get3A_8 {offsets = [2, 0], sizes = [1, 256], strides = [1, 1]} : vector<64x256xf32> to vector<1x256xf32>
    %sub3A_27 = vector.broadcast %slice3A_25 : vector<128x1xf32> to vector<128x256xf32>
    %sub3A_28 = vector.broadcast %slice3A_26 : vector<1x256xf32> to vector<128x256xf32>
    %sub3A_29 = arith.subf %sub3A_27, %sub3A_28 : vector<128x256xf32>
    %abs3A_30 = math.absf %sub3A_29 : vector<128x256xf32>
    %add3A_31 = arith.addf %add3A_24, %abs3A_30 : vector<128x256xf32>
    %slice3A_32 = vector.extract_strided_slice %add3A_12 {offsets = [0, 3], sizes = [128, 1], strides = [1, 1]} : vector<128x64xf32> to vector<128x1xf32>
    %slice3A_33 = vector.extract_strided_slice %get3A_8 {offsets = [3, 0], sizes = [1, 256], strides = [1, 1]} : vector<64x256xf32> to vector<1x256xf32>
    %sub3A_34 = vector.broadcast %slice3A_32 : vector<128x1xf32> to vector<128x256xf32>
    %sub3A_35 = vector.broadcast %slice3A_33 : vector<1x256xf32> to vector<128x256xf32>
    %sub3A_36 = arith.subf %sub3A_34, %sub3A_35 : vector<128x256xf32>
    %abs3A_37 = math.absf %sub3A_36 : vector<128x256xf32>
    %add3A_38 = arith.addf %add3A_31, %abs3A_37 : vector<128x256xf32>
    %slice3A_39 = vector.extract_strided_slice %add3A_12 {offsets = [0, 4], sizes = [128, 1], strides = [1, 1]} : vector<128x64xf32> to vector<128x1xf32>
    %slice3A_40 = vector.extract_strided_slice %get3A_8 {offsets = [4, 0], sizes = [1, 256], strides = [1, 1]} : vector<64x256xf32> to vector<1x256xf32>
    %sub3A_41 = vector.broadcast %slice3A_39 : vector<128x1xf32> to vector<128x256xf32>
    %sub3A_42 = vector.broadcast %slice3A_40 : vector<1x256xf32> to vector<128x256xf32>
    %sub3A_43 = arith.subf %sub3A_41, %sub3A_42 : vector<128x256xf32>
    %abs3A_44 = math.absf %sub3A_43 : vector<128x256xf32>
    %add3A_45 = arith.addf %add3A_38, %abs3A_44 : vector<128x256xf32>
    %slice3A_46 = vector.extract_strided_slice %add3A_12 {offsets = [0, 5], sizes = [128, 1], strides = [1, 1]} : vector<128x64xf32> to vector<128x1xf32>
    %slice3A_47 = vector.extract_strided_slice %get3A_8 {offsets = [5, 0], sizes = [1, 256], strides = [1, 1]} : vector<64x256xf32> to vector<1x256xf32>
    %sub3A_48 = vector.broadcast %slice3A_46 : vector<128x1xf32> to vector<128x256xf32>
    %sub3A_49 = vector.broadcast %slice3A_47 : vector<1x256xf32> to vector<128x256xf32>
    %sub3A_50 = arith.subf %sub3A_48, %sub3A_49 : vector<128x256xf32>
    %abs3A_51 = math.absf %sub3A_50 : vector<128x256xf32>
    %add3A_52 = arith.addf %add3A_45, %abs3A_51 : vector<128x256xf32>
    %slice3A_53 = vector.extract_strided_slice %add3A_12 {offsets = [0, 6], sizes = [128, 1], strides = [1, 1]} : vector<128x64xf32> to vector<128x1xf32>
    %slice3A_54 = vector.extract_strided_slice %get3A_8 {offsets = [6, 0], sizes = [1, 256], strides = [1, 1]} : vector<64x256xf32> to vector<1x256xf32>
    %sub3A_55 = vector.broadcast %slice3A_53 : vector<128x1xf32> to vector<128x256xf32>
    %sub3A_56 = vector.broadcast %slice3A_54 : vector<1x256xf32> to vector<128x256xf32>
    %sub3A_57 = arith.subf %sub3A_55, %sub3A_56 : vector<128x256xf32>
    %abs3A_58 = math.absf %sub3A_57 : vector<128x256xf32>
    %add3A_59 = arith.addf %add3A_52, %abs3A_58 : vector<128x256xf32>
    %slice3A_60 = vector.extract_strided_slice %add3A_12 {offsets = [0, 7], sizes = [128, 1], strides = [1, 1]} : vector<128x64xf32> to vector<128x1xf32>
    %slice3A_61 = vector.extract_strided_slice %get3A_8 {offsets = [7, 0], sizes = [1, 256], strides = [1, 1]} : vector<64x256xf32> to vector<1x256xf32>
    %sub3A_62 = vector.broadcast %slice3A_60 : vector<128x1xf32> to vector<128x256xf32>
    %sub3A_63 = vector.broadcast %slice3A_61 : vector<1x256xf32> to vector<128x256xf32>
    %sub3A_64 = arith.subf %sub3A_62, %sub3A_63 : vector<128x256xf32>
    %abs3A_65 = math.absf %sub3A_64 : vector<128x256xf32>
    %add3A_66 = arith.addf %add3A_59, %abs3A_65 : vector<128x256xf32>
    %slice3A_67 = vector.extract_strided_slice %add3A_12 {offsets = [0, 8], sizes = [128, 1], strides = [1, 1]} : vector<128x64xf32> to vector<128x1xf32>
    %slice3A_68 = vector.extract_strided_slice %get3A_8 {offsets = [8, 0], sizes = [1, 256], strides = [1, 1]} : vector<64x256xf32> to vector<1x256xf32>
    %sub3A_69 = vector.broadcast %slice3A_67 : vector<128x1xf32> to vector<128x256xf32>
    %sub3A_70 = vector.broadcast %slice3A_68 : vector<1x256xf32> to vector<128x256xf32>
    %sub3A_71 = arith.subf %sub3A_69, %sub3A_70 : vector<128x256xf32>
    %abs3A_72 = math.absf %sub3A_71 : vector<128x256xf32>
    %add3A_73 = arith.addf %add3A_66, %abs3A_72 : vector<128x256xf32>
    %slice3A_74 = vector.extract_strided_slice %add3A_12 {offsets = [0, 9], sizes = [128, 1], strides = [1, 1]} : vector<128x64xf32> to vector<128x1xf32>
    %slice3A_75 = vector.extract_strided_slice %get3A_8 {offsets = [9, 0], sizes = [1, 256], strides = [1, 1]} : vector<64x256xf32> to vector<1x256xf32>
    %sub3A_76 = vector.broadcast %slice3A_74 : vector<128x1xf32> to vector<128x256xf32>
    %sub3A_77 = vector.broadcast %slice3A_75 : vector<1x256xf32> to vector<128x256xf32>
    %sub3A_78 = arith.subf %sub3A_76, %sub3A_77 : vector<128x256xf32>
    %abs3A_79 = math.absf %sub3A_78 : vector<128x256xf32>
    %add3A_80 = arith.addf %add3A_73, %abs3A_79 : vector<128x256xf32>
    %slice3A_81 = vector.extract_strided_slice %add3A_12 {offsets = [0, 10], sizes = [128, 1], strides = [1, 1]} : vector<128x64xf32> to vector<128x1xf32>
    %slice3A_82 = vector.extract_strided_slice %get3A_8 {offsets = [10, 0], sizes = [1, 256], strides = [1, 1]} : vector<64x256xf32> to vector<1x256xf32>
    %sub3A_83 = vector.broadcast %slice3A_81 : vector<128x1xf32> to vector<128x256xf32>
    %sub3A_84 = vector.broadcast %slice3A_82 : vector<1x256xf32> to vector<128x256xf32>
    %sub3A_85 = arith.subf %sub3A_83, %sub3A_84 : vector<128x256xf32>
    %abs3A_86 = math.absf %sub3A_85 : vector<128x256xf32>
    %add3A_87 = arith.addf %add3A_80, %abs3A_86 : vector<128x256xf32>
    %slice3A_88 = vector.extract_strided_slice %add3A_12 {offsets = [0, 11], sizes = [128, 1], strides = [1, 1]} : vector<128x64xf32> to vector<128x1xf32>
    %slice3A_89 = vector.extract_strided_slice %get3A_8 {offsets = [11, 0], sizes = [1, 256], strides = [1, 1]} : vector<64x256xf32> to vector<1x256xf32>
    %sub3A_90 = vector.broadcast %slice3A_88 : vector<128x1xf32> to vector<128x256xf32>
    %sub3A_91 = vector.broadcast %slice3A_89 : vector<1x256xf32> to vector<128x256xf32>
    %sub3A_92 = arith.subf %sub3A_90, %sub3A_91 : vector<128x256xf32>
    %abs3A_93 = math.absf %sub3A_92 : vector<128x256xf32>
    %add3A_94 = arith.addf %add3A_87, %abs3A_93 : vector<128x256xf32>
    %slice3A_95 = vector.extract_strided_slice %add3A_12 {offsets = [0, 12], sizes = [128, 1], strides = [1, 1]} : vector<128x64xf32> to vector<128x1xf32>
    %slice3A_96 = vector.extract_strided_slice %get3A_8 {offsets = [12, 0], sizes = [1, 256], strides = [1, 1]} : vector<64x256xf32> to vector<1x256xf32>
    %sub3A_97 = vector.broadcast %slice3A_95 : vector<128x1xf32> to vector<128x256xf32>
    %sub3A_98 = vector.broadcast %slice3A_96 : vector<1x256xf32> to vector<128x256xf32>
    %sub3A_99 = arith.subf %sub3A_97, %sub3A_98 : vector<128x256xf32>
    %abs3A_100 = math.absf %sub3A_99 : vector<128x256xf32>
    %add3A_101 = arith.addf %add3A_94, %abs3A_100 : vector<128x256xf32>
    %slice3A_102 = vector.extract_strided_slice %add3A_12 {offsets = [0, 13], sizes = [128, 1], strides = [1, 1]} : vector<128x64xf32> to vector<128x1xf32>
    %slice3A_103 = vector.extract_strided_slice %get3A_8 {offsets = [13, 0], sizes = [1, 256], strides = [1, 1]} : vector<64x256xf32> to vector<1x256xf32>
    %sub3A_104 = vector.broadcast %slice3A_102 : vector<128x1xf32> to vector<128x256xf32>
    %sub3A_105 = vector.broadcast %slice3A_103 : vector<1x256xf32> to vector<128x256xf32>
    %sub3A_106 = arith.subf %sub3A_104, %sub3A_105 : vector<128x256xf32>
    %abs3A_107 = math.absf %sub3A_106 : vector<128x256xf32>
    %add3A_108 = arith.addf %add3A_101, %abs3A_107 : vector<128x256xf32>
    %slice3A_109 = vector.extract_strided_slice %add3A_12 {offsets = [0, 14], sizes = [128, 1], strides = [1, 1]} : vector<128x64xf32> to vector<128x1xf32>
    %slice3A_110 = vector.extract_strided_slice %get3A_8 {offsets = [14, 0], sizes = [1, 256], strides = [1, 1]} : vector<64x256xf32> to vector<1x256xf32>
    %sub3A_111 = vector.broadcast %slice3A_109 : vector<128x1xf32> to vector<128x256xf32>
    %sub3A_112 = vector.broadcast %slice3A_110 : vector<1x256xf32> to vector<128x256xf32>
    %sub3A_113 = arith.subf %sub3A_111, %sub3A_112 : vector<128x256xf32>
    %abs3A_114 = math.absf %sub3A_113 : vector<128x256xf32>
    %add3A_115 = arith.addf %add3A_108, %abs3A_114 : vector<128x256xf32>
    %slice3A_116 = vector.extract_strided_slice %add3A_12 {offsets = [0, 15], sizes = [128, 1], strides = [1, 1]} : vector<128x64xf32> to vector<128x1xf32>
    %slice3A_117 = vector.extract_strided_slice %get3A_8 {offsets = [15, 0], sizes = [1, 256], strides = [1, 1]} : vector<64x256xf32> to vector<1x256xf32>
    %sub3A_118 = vector.broadcast %slice3A_116 : vector<128x1xf32> to vector<128x256xf32>
    %sub3A_119 = vector.broadcast %slice3A_117 : vector<1x256xf32> to vector<128x256xf32>
    %sub3A_120 = arith.subf %sub3A_118, %sub3A_119 : vector<128x256xf32>
    %abs3A_121 = math.absf %sub3A_120 : vector<128x256xf32>
    %add3A_122 = arith.addf %add3A_115, %abs3A_121 : vector<128x256xf32>
    %slice3A_123 = vector.extract_strided_slice %add3A_12 {offsets = [0, 16], sizes = [128, 1], strides = [1, 1]} : vector<128x64xf32> to vector<128x1xf32>
    %slice3A_124 = vector.extract_strided_slice %get3A_8 {offsets = [16, 0], sizes = [1, 256], strides = [1, 1]} : vector<64x256xf32> to vector<1x256xf32>
    %sub3A_125 = vector.broadcast %slice3A_123 : vector<128x1xf32> to vector<128x256xf32>
    %sub3A_126 = vector.broadcast %slice3A_124 : vector<1x256xf32> to vector<128x256xf32>
    %sub3A_127 = arith.subf %sub3A_125, %sub3A_126 : vector<128x256xf32>
    %abs3A_128 = math.absf %sub3A_127 : vector<128x256xf32>
    %add3A_129 = arith.addf %add3A_122, %abs3A_128 : vector<128x256xf32>
    %slice3A_130 = vector.extract_strided_slice %add3A_12 {offsets = [0, 17], sizes = [128, 1], strides = [1, 1]} : vector<128x64xf32> to vector<128x1xf32>
    %slice3A_131 = vector.extract_strided_slice %get3A_8 {offsets = [17, 0], sizes = [1, 256], strides = [1, 1]} : vector<64x256xf32> to vector<1x256xf32>
    %sub3A_132 = vector.broadcast %slice3A_130 : vector<128x1xf32> to vector<128x256xf32>
    %sub3A_133 = vector.broadcast %slice3A_131 : vector<1x256xf32> to vector<128x256xf32>
    %sub3A_134 = arith.subf %sub3A_132, %sub3A_133 : vector<128x256xf32>
    %abs3A_135 = math.absf %sub3A_134 : vector<128x256xf32>
    %add3A_136 = arith.addf %add3A_129, %abs3A_135 : vector<128x256xf32>
    %slice3A_137 = vector.extract_strided_slice %add3A_12 {offsets = [0, 18], sizes = [128, 1], strides = [1, 1]} : vector<128x64xf32> to vector<128x1xf32>
    %slice3A_138 = vector.extract_strided_slice %get3A_8 {offsets = [18, 0], sizes = [1, 256], strides = [1, 1]} : vector<64x256xf32> to vector<1x256xf32>
    %sub3A_139 = vector.broadcast %slice3A_137 : vector<128x1xf32> to vector<128x256xf32>
    %sub3A_140 = vector.broadcast %slice3A_138 : vector<1x256xf32> to vector<128x256xf32>
    %sub3A_141 = arith.subf %sub3A_139, %sub3A_140 : vector<128x256xf32>
    %abs3A_142 = math.absf %sub3A_141 : vector<128x256xf32>
    %add3A_143 = arith.addf %add3A_136, %abs3A_142 : vector<128x256xf32>
    %slice3A_144 = vector.extract_strided_slice %add3A_12 {offsets = [0, 19], sizes = [128, 1], strides = [1, 1]} : vector<128x64xf32> to vector<128x1xf32>
    %slice3A_145 = vector.extract_strided_slice %get3A_8 {offsets = [19, 0], sizes = [1, 256], strides = [1, 1]} : vector<64x256xf32> to vector<1x256xf32>
    %sub3A_146 = vector.broadcast %slice3A_144 : vector<128x1xf32> to vector<128x256xf32>
    %sub3A_147 = vector.broadcast %slice3A_145 : vector<1x256xf32> to vector<128x256xf32>
    %sub3A_148 = arith.subf %sub3A_146, %sub3A_147 : vector<128x256xf32>
    %abs3A_149 = math.absf %sub3A_148 : vector<128x256xf32>
    %add3A_150 = arith.addf %add3A_143, %abs3A_149 : vector<128x256xf32>
    %slice3A_151 = vector.extract_strided_slice %add3A_12 {offsets = [0, 20], sizes = [128, 1], strides = [1, 1]} : vector<128x64xf32> to vector<128x1xf32>
    %slice3A_152 = vector.extract_strided_slice %get3A_8 {offsets = [20, 0], sizes = [1, 256], strides = [1, 1]} : vector<64x256xf32> to vector<1x256xf32>
    %sub3A_153 = vector.broadcast %slice3A_151 : vector<128x1xf32> to vector<128x256xf32>
    %sub3A_154 = vector.broadcast %slice3A_152 : vector<1x256xf32> to vector<128x256xf32>
    %sub3A_155 = arith.subf %sub3A_153, %sub3A_154 : vector<128x256xf32>
    %abs3A_156 = math.absf %sub3A_155 : vector<128x256xf32>
    %add3A_157 = arith.addf %add3A_150, %abs3A_156 : vector<128x256xf32>
    %slice3A_158 = vector.extract_strided_slice %add3A_12 {offsets = [0, 21], sizes = [128, 1], strides = [1, 1]} : vector<128x64xf32> to vector<128x1xf32>
    %slice3A_159 = vector.extract_strided_slice %get3A_8 {offsets = [21, 0], sizes = [1, 256], strides = [1, 1]} : vector<64x256xf32> to vector<1x256xf32>
    %sub3A_160 = vector.broadcast %slice3A_158 : vector<128x1xf32> to vector<128x256xf32>
    %sub3A_161 = vector.broadcast %slice3A_159 : vector<1x256xf32> to vector<128x256xf32>
    %sub3A_162 = arith.subf %sub3A_160, %sub3A_161 : vector<128x256xf32>
    %abs3A_163 = math.absf %sub3A_162 : vector<128x256xf32>
    %add3A_164 = arith.addf %add3A_157, %abs3A_163 : vector<128x256xf32>
    %slice3A_165 = vector.extract_strided_slice %add3A_12 {offsets = [0, 22], sizes = [128, 1], strides = [1, 1]} : vector<128x64xf32> to vector<128x1xf32>
    %slice3A_166 = vector.extract_strided_slice %get3A_8 {offsets = [22, 0], sizes = [1, 256], strides = [1, 1]} : vector<64x256xf32> to vector<1x256xf32>
    %sub3A_167 = vector.broadcast %slice3A_165 : vector<128x1xf32> to vector<128x256xf32>
    %sub3A_168 = vector.broadcast %slice3A_166 : vector<1x256xf32> to vector<128x256xf32>
    %sub3A_169 = arith.subf %sub3A_167, %sub3A_168 : vector<128x256xf32>
    %abs3A_170 = math.absf %sub3A_169 : vector<128x256xf32>
    %add3A_171 = arith.addf %add3A_164, %abs3A_170 : vector<128x256xf32>
    %slice3A_172 = vector.extract_strided_slice %add3A_12 {offsets = [0, 23], sizes = [128, 1], strides = [1, 1]} : vector<128x64xf32> to vector<128x1xf32>
    %slice3A_173 = vector.extract_strided_slice %get3A_8 {offsets = [23, 0], sizes = [1, 256], strides = [1, 1]} : vector<64x256xf32> to vector<1x256xf32>
    %sub3A_174 = vector.broadcast %slice3A_172 : vector<128x1xf32> to vector<128x256xf32>
    %sub3A_175 = vector.broadcast %slice3A_173 : vector<1x256xf32> to vector<128x256xf32>
    %sub3A_176 = arith.subf %sub3A_174, %sub3A_175 : vector<128x256xf32>
    %abs3A_177 = math.absf %sub3A_176 : vector<128x256xf32>
    %add3A_178 = arith.addf %add3A_171, %abs3A_177 : vector<128x256xf32>
    %slice3A_179 = vector.extract_strided_slice %add3A_12 {offsets = [0, 24], sizes = [128, 1], strides = [1, 1]} : vector<128x64xf32> to vector<128x1xf32>
    %slice3A_180 = vector.extract_strided_slice %get3A_8 {offsets = [24, 0], sizes = [1, 256], strides = [1, 1]} : vector<64x256xf32> to vector<1x256xf32>
    %sub3A_181 = vector.broadcast %slice3A_179 : vector<128x1xf32> to vector<128x256xf32>
    %sub3A_182 = vector.broadcast %slice3A_180 : vector<1x256xf32> to vector<128x256xf32>
    %sub3A_183 = arith.subf %sub3A_181, %sub3A_182 : vector<128x256xf32>
    %abs3A_184 = math.absf %sub3A_183 : vector<128x256xf32>
    %add3A_185 = arith.addf %add3A_178, %abs3A_184 : vector<128x256xf32>
    %slice3A_186 = vector.extract_strided_slice %add3A_12 {offsets = [0, 25], sizes = [128, 1], strides = [1, 1]} : vector<128x64xf32> to vector<128x1xf32>
    %slice3A_187 = vector.extract_strided_slice %get3A_8 {offsets = [25, 0], sizes = [1, 256], strides = [1, 1]} : vector<64x256xf32> to vector<1x256xf32>
    %sub3A_188 = vector.broadcast %slice3A_186 : vector<128x1xf32> to vector<128x256xf32>
    %sub3A_189 = vector.broadcast %slice3A_187 : vector<1x256xf32> to vector<128x256xf32>
    %sub3A_190 = arith.subf %sub3A_188, %sub3A_189 : vector<128x256xf32>
    %abs3A_191 = math.absf %sub3A_190 : vector<128x256xf32>
    %add3A_192 = arith.addf %add3A_185, %abs3A_191 : vector<128x256xf32>
    %slice3A_193 = vector.extract_strided_slice %add3A_12 {offsets = [0, 26], sizes = [128, 1], strides = [1, 1]} : vector<128x64xf32> to vector<128x1xf32>
    %slice3A_194 = vector.extract_strided_slice %get3A_8 {offsets = [26, 0], sizes = [1, 256], strides = [1, 1]} : vector<64x256xf32> to vector<1x256xf32>
    %sub3A_195 = vector.broadcast %slice3A_193 : vector<128x1xf32> to vector<128x256xf32>
    %sub3A_196 = vector.broadcast %slice3A_194 : vector<1x256xf32> to vector<128x256xf32>
    %sub3A_197 = arith.subf %sub3A_195, %sub3A_196 : vector<128x256xf32>
    %abs3A_198 = math.absf %sub3A_197 : vector<128x256xf32>
    %add3A_199 = arith.addf %add3A_192, %abs3A_198 : vector<128x256xf32>
    %slice3A_200 = vector.extract_strided_slice %add3A_12 {offsets = [0, 27], sizes = [128, 1], strides = [1, 1]} : vector<128x64xf32> to vector<128x1xf32>
    %slice3A_201 = vector.extract_strided_slice %get3A_8 {offsets = [27, 0], sizes = [1, 256], strides = [1, 1]} : vector<64x256xf32> to vector<1x256xf32>
    %sub3A_202 = vector.broadcast %slice3A_200 : vector<128x1xf32> to vector<128x256xf32>
    %sub3A_203 = vector.broadcast %slice3A_201 : vector<1x256xf32> to vector<128x256xf32>
    %sub3A_204 = arith.subf %sub3A_202, %sub3A_203 : vector<128x256xf32>
    %abs3A_205 = math.absf %sub3A_204 : vector<128x256xf32>
    %add3A_206 = arith.addf %add3A_199, %abs3A_205 : vector<128x256xf32>
    %slice3A_207 = vector.extract_strided_slice %add3A_12 {offsets = [0, 28], sizes = [128, 1], strides = [1, 1]} : vector<128x64xf32> to vector<128x1xf32>
    %slice3A_208 = vector.extract_strided_slice %get3A_8 {offsets = [28, 0], sizes = [1, 256], strides = [1, 1]} : vector<64x256xf32> to vector<1x256xf32>
    %sub3A_209 = vector.broadcast %slice3A_207 : vector<128x1xf32> to vector<128x256xf32>
    %sub3A_210 = vector.broadcast %slice3A_208 : vector<1x256xf32> to vector<128x256xf32>
    %sub3A_211 = arith.subf %sub3A_209, %sub3A_210 : vector<128x256xf32>
    %abs3A_212 = math.absf %sub3A_211 : vector<128x256xf32>
    %add3A_213 = arith.addf %add3A_206, %abs3A_212 : vector<128x256xf32>
    %slice3A_214 = vector.extract_strided_slice %add3A_12 {offsets = [0, 29], sizes = [128, 1], strides = [1, 1]} : vector<128x64xf32> to vector<128x1xf32>
    %slice3A_215 = vector.extract_strided_slice %get3A_8 {offsets = [29, 0], sizes = [1, 256], strides = [1, 1]} : vector<64x256xf32> to vector<1x256xf32>
    %sub3A_216 = vector.broadcast %slice3A_214 : vector<128x1xf32> to vector<128x256xf32>
    %sub3A_217 = vector.broadcast %slice3A_215 : vector<1x256xf32> to vector<128x256xf32>
    %sub3A_218 = arith.subf %sub3A_216, %sub3A_217 : vector<128x256xf32>
    %abs3A_219 = math.absf %sub3A_218 : vector<128x256xf32>
    %add3A_220 = arith.addf %add3A_213, %abs3A_219 : vector<128x256xf32>
    %slice3A_221 = vector.extract_strided_slice %add3A_12 {offsets = [0, 30], sizes = [128, 1], strides = [1, 1]} : vector<128x64xf32> to vector<128x1xf32>
    %slice3A_222 = vector.extract_strided_slice %get3A_8 {offsets = [30, 0], sizes = [1, 256], strides = [1, 1]} : vector<64x256xf32> to vector<1x256xf32>
    %sub3A_223 = vector.broadcast %slice3A_221 : vector<128x1xf32> to vector<128x256xf32>
    %sub3A_224 = vector.broadcast %slice3A_222 : vector<1x256xf32> to vector<128x256xf32>
    %sub3A_225 = arith.subf %sub3A_223, %sub3A_224 : vector<128x256xf32>
    %abs3A_226 = math.absf %sub3A_225 : vector<128x256xf32>
    %add3A_227 = arith.addf %add3A_220, %abs3A_226 : vector<128x256xf32>
    %slice3A_228 = vector.extract_strided_slice %add3A_12 {offsets = [0, 31], sizes = [128, 1], strides = [1, 1]} : vector<128x64xf32> to vector<128x1xf32>
    %slice3A_229 = vector.extract_strided_slice %get3A_8 {offsets = [31, 0], sizes = [1, 256], strides = [1, 1]} : vector<64x256xf32> to vector<1x256xf32>
    %sub3A_230 = vector.broadcast %slice3A_228 : vector<128x1xf32> to vector<128x256xf32>
    %sub3A_231 = vector.broadcast %slice3A_229 : vector<1x256xf32> to vector<128x256xf32>
    %sub3A_232 = arith.subf %sub3A_230, %sub3A_231 : vector<128x256xf32>
    %abs3A_233 = math.absf %sub3A_232 : vector<128x256xf32>
    %add3A_234 = arith.addf %add3A_227, %abs3A_233 : vector<128x256xf32>
    %slice3A_235 = vector.extract_strided_slice %add3A_12 {offsets = [0, 32], sizes = [128, 1], strides = [1, 1]} : vector<128x64xf32> to vector<128x1xf32>
    %slice3A_236 = vector.extract_strided_slice %get3A_8 {offsets = [32, 0], sizes = [1, 256], strides = [1, 1]} : vector<64x256xf32> to vector<1x256xf32>
    %sub3A_237 = vector.broadcast %slice3A_235 : vector<128x1xf32> to vector<128x256xf32>
    %sub3A_238 = vector.broadcast %slice3A_236 : vector<1x256xf32> to vector<128x256xf32>
    %sub3A_239 = arith.subf %sub3A_237, %sub3A_238 : vector<128x256xf32>
    %abs3A_240 = math.absf %sub3A_239 : vector<128x256xf32>
    %add3A_241 = arith.addf %add3A_234, %abs3A_240 : vector<128x256xf32>
    %slice3A_242 = vector.extract_strided_slice %add3A_12 {offsets = [0, 33], sizes = [128, 1], strides = [1, 1]} : vector<128x64xf32> to vector<128x1xf32>
    %slice3A_243 = vector.extract_strided_slice %get3A_8 {offsets = [33, 0], sizes = [1, 256], strides = [1, 1]} : vector<64x256xf32> to vector<1x256xf32>
    %sub3A_244 = vector.broadcast %slice3A_242 : vector<128x1xf32> to vector<128x256xf32>
    %sub3A_245 = vector.broadcast %slice3A_243 : vector<1x256xf32> to vector<128x256xf32>
    %sub3A_246 = arith.subf %sub3A_244, %sub3A_245 : vector<128x256xf32>
    %abs3A_247 = math.absf %sub3A_246 : vector<128x256xf32>
    %add3A_248 = arith.addf %add3A_241, %abs3A_247 : vector<128x256xf32>
    %slice3A_249 = vector.extract_strided_slice %add3A_12 {offsets = [0, 34], sizes = [128, 1], strides = [1, 1]} : vector<128x64xf32> to vector<128x1xf32>
    %slice3A_250 = vector.extract_strided_slice %get3A_8 {offsets = [34, 0], sizes = [1, 256], strides = [1, 1]} : vector<64x256xf32> to vector<1x256xf32>
    %sub3A_251 = vector.broadcast %slice3A_249 : vector<128x1xf32> to vector<128x256xf32>
    %sub3A_252 = vector.broadcast %slice3A_250 : vector<1x256xf32> to vector<128x256xf32>
    %sub3A_253 = arith.subf %sub3A_251, %sub3A_252 : vector<128x256xf32>
    %abs3A_254 = math.absf %sub3A_253 : vector<128x256xf32>
    %add3A_255 = arith.addf %add3A_248, %abs3A_254 : vector<128x256xf32>
    %slice3A_256 = vector.extract_strided_slice %add3A_12 {offsets = [0, 35], sizes = [128, 1], strides = [1, 1]} : vector<128x64xf32> to vector<128x1xf32>
    %slice3A_257 = vector.extract_strided_slice %get3A_8 {offsets = [35, 0], sizes = [1, 256], strides = [1, 1]} : vector<64x256xf32> to vector<1x256xf32>
    %sub3A_258 = vector.broadcast %slice3A_256 : vector<128x1xf32> to vector<128x256xf32>
    %sub3A_259 = vector.broadcast %slice3A_257 : vector<1x256xf32> to vector<128x256xf32>
    %sub3A_260 = arith.subf %sub3A_258, %sub3A_259 : vector<128x256xf32>
    %abs3A_261 = math.absf %sub3A_260 : vector<128x256xf32>
    %add3A_262 = arith.addf %add3A_255, %abs3A_261 : vector<128x256xf32>
    %slice3A_263 = vector.extract_strided_slice %add3A_12 {offsets = [0, 36], sizes = [128, 1], strides = [1, 1]} : vector<128x64xf32> to vector<128x1xf32>
    %slice3A_264 = vector.extract_strided_slice %get3A_8 {offsets = [36, 0], sizes = [1, 256], strides = [1, 1]} : vector<64x256xf32> to vector<1x256xf32>
    %sub3A_265 = vector.broadcast %slice3A_263 : vector<128x1xf32> to vector<128x256xf32>
    %sub3A_266 = vector.broadcast %slice3A_264 : vector<1x256xf32> to vector<128x256xf32>
    %sub3A_267 = arith.subf %sub3A_265, %sub3A_266 : vector<128x256xf32>
    %abs3A_268 = math.absf %sub3A_267 : vector<128x256xf32>
    %add3A_269 = arith.addf %add3A_262, %abs3A_268 : vector<128x256xf32>
    %slice3A_270 = vector.extract_strided_slice %add3A_12 {offsets = [0, 37], sizes = [128, 1], strides = [1, 1]} : vector<128x64xf32> to vector<128x1xf32>
    %slice3A_271 = vector.extract_strided_slice %get3A_8 {offsets = [37, 0], sizes = [1, 256], strides = [1, 1]} : vector<64x256xf32> to vector<1x256xf32>
    %sub3A_272 = vector.broadcast %slice3A_270 : vector<128x1xf32> to vector<128x256xf32>
    %sub3A_273 = vector.broadcast %slice3A_271 : vector<1x256xf32> to vector<128x256xf32>
    %sub3A_274 = arith.subf %sub3A_272, %sub3A_273 : vector<128x256xf32>
    %abs3A_275 = math.absf %sub3A_274 : vector<128x256xf32>
    %add3A_276 = arith.addf %add3A_269, %abs3A_275 : vector<128x256xf32>
    %slice3A_277 = vector.extract_strided_slice %add3A_12 {offsets = [0, 38], sizes = [128, 1], strides = [1, 1]} : vector<128x64xf32> to vector<128x1xf32>
    %slice3A_278 = vector.extract_strided_slice %get3A_8 {offsets = [38, 0], sizes = [1, 256], strides = [1, 1]} : vector<64x256xf32> to vector<1x256xf32>
    %sub3A_279 = vector.broadcast %slice3A_277 : vector<128x1xf32> to vector<128x256xf32>
    %sub3A_280 = vector.broadcast %slice3A_278 : vector<1x256xf32> to vector<128x256xf32>
    %sub3A_281 = arith.subf %sub3A_279, %sub3A_280 : vector<128x256xf32>
    %abs3A_282 = math.absf %sub3A_281 : vector<128x256xf32>
    %add3A_283 = arith.addf %add3A_276, %abs3A_282 : vector<128x256xf32>
    %slice3A_284 = vector.extract_strided_slice %add3A_12 {offsets = [0, 39], sizes = [128, 1], strides = [1, 1]} : vector<128x64xf32> to vector<128x1xf32>
    %slice3A_285 = vector.extract_strided_slice %get3A_8 {offsets = [39, 0], sizes = [1, 256], strides = [1, 1]} : vector<64x256xf32> to vector<1x256xf32>
    %sub3A_286 = vector.broadcast %slice3A_284 : vector<128x1xf32> to vector<128x256xf32>
    %sub3A_287 = vector.broadcast %slice3A_285 : vector<1x256xf32> to vector<128x256xf32>
    %sub3A_288 = arith.subf %sub3A_286, %sub3A_287 : vector<128x256xf32>
    %abs3A_289 = math.absf %sub3A_288 : vector<128x256xf32>
    %add3A_290 = arith.addf %add3A_283, %abs3A_289 : vector<128x256xf32>
    %slice3A_291 = vector.extract_strided_slice %add3A_12 {offsets = [0, 40], sizes = [128, 1], strides = [1, 1]} : vector<128x64xf32> to vector<128x1xf32>
    %slice3A_292 = vector.extract_strided_slice %get3A_8 {offsets = [40, 0], sizes = [1, 256], strides = [1, 1]} : vector<64x256xf32> to vector<1x256xf32>
    %sub3A_293 = vector.broadcast %slice3A_291 : vector<128x1xf32> to vector<128x256xf32>
    %sub3A_294 = vector.broadcast %slice3A_292 : vector<1x256xf32> to vector<128x256xf32>
    %sub3A_295 = arith.subf %sub3A_293, %sub3A_294 : vector<128x256xf32>
    %abs3A_296 = math.absf %sub3A_295 : vector<128x256xf32>
    %add3A_297 = arith.addf %add3A_290, %abs3A_296 : vector<128x256xf32>
    %slice3A_298 = vector.extract_strided_slice %add3A_12 {offsets = [0, 41], sizes = [128, 1], strides = [1, 1]} : vector<128x64xf32> to vector<128x1xf32>
    %slice3A_299 = vector.extract_strided_slice %get3A_8 {offsets = [41, 0], sizes = [1, 256], strides = [1, 1]} : vector<64x256xf32> to vector<1x256xf32>
    %sub3A_300 = vector.broadcast %slice3A_298 : vector<128x1xf32> to vector<128x256xf32>
    %sub3A_301 = vector.broadcast %slice3A_299 : vector<1x256xf32> to vector<128x256xf32>
    %sub3A_302 = arith.subf %sub3A_300, %sub3A_301 : vector<128x256xf32>
    %abs3A_303 = math.absf %sub3A_302 : vector<128x256xf32>
    %add3A_304 = arith.addf %add3A_297, %abs3A_303 : vector<128x256xf32>
    %slice3A_305 = vector.extract_strided_slice %add3A_12 {offsets = [0, 42], sizes = [128, 1], strides = [1, 1]} : vector<128x64xf32> to vector<128x1xf32>
    %slice3A_306 = vector.extract_strided_slice %get3A_8 {offsets = [42, 0], sizes = [1, 256], strides = [1, 1]} : vector<64x256xf32> to vector<1x256xf32>
    %sub3A_307 = vector.broadcast %slice3A_305 : vector<128x1xf32> to vector<128x256xf32>
    %sub3A_308 = vector.broadcast %slice3A_306 : vector<1x256xf32> to vector<128x256xf32>
    %sub3A_309 = arith.subf %sub3A_307, %sub3A_308 : vector<128x256xf32>
    %abs3A_310 = math.absf %sub3A_309 : vector<128x256xf32>
    %add3A_311 = arith.addf %add3A_304, %abs3A_310 : vector<128x256xf32>
    %slice3A_312 = vector.extract_strided_slice %add3A_12 {offsets = [0, 43], sizes = [128, 1], strides = [1, 1]} : vector<128x64xf32> to vector<128x1xf32>
    %slice3A_313 = vector.extract_strided_slice %get3A_8 {offsets = [43, 0], sizes = [1, 256], strides = [1, 1]} : vector<64x256xf32> to vector<1x256xf32>
    %sub3A_314 = vector.broadcast %slice3A_312 : vector<128x1xf32> to vector<128x256xf32>
    %sub3A_315 = vector.broadcast %slice3A_313 : vector<1x256xf32> to vector<128x256xf32>
    %sub3A_316 = arith.subf %sub3A_314, %sub3A_315 : vector<128x256xf32>
    %abs3A_317 = math.absf %sub3A_316 : vector<128x256xf32>
    %add3A_318 = arith.addf %add3A_311, %abs3A_317 : vector<128x256xf32>
    %slice3A_319 = vector.extract_strided_slice %add3A_12 {offsets = [0, 44], sizes = [128, 1], strides = [1, 1]} : vector<128x64xf32> to vector<128x1xf32>
    %slice3A_320 = vector.extract_strided_slice %get3A_8 {offsets = [44, 0], sizes = [1, 256], strides = [1, 1]} : vector<64x256xf32> to vector<1x256xf32>
    %sub3A_321 = vector.broadcast %slice3A_319 : vector<128x1xf32> to vector<128x256xf32>
    %sub3A_322 = vector.broadcast %slice3A_320 : vector<1x256xf32> to vector<128x256xf32>
    %sub3A_323 = arith.subf %sub3A_321, %sub3A_322 : vector<128x256xf32>
    %abs3A_324 = math.absf %sub3A_323 : vector<128x256xf32>
    %add3A_325 = arith.addf %add3A_318, %abs3A_324 : vector<128x256xf32>
    %slice3A_326 = vector.extract_strided_slice %add3A_12 {offsets = [0, 45], sizes = [128, 1], strides = [1, 1]} : vector<128x64xf32> to vector<128x1xf32>
    %slice3A_327 = vector.extract_strided_slice %get3A_8 {offsets = [45, 0], sizes = [1, 256], strides = [1, 1]} : vector<64x256xf32> to vector<1x256xf32>
    %sub3A_328 = vector.broadcast %slice3A_326 : vector<128x1xf32> to vector<128x256xf32>
    %sub3A_329 = vector.broadcast %slice3A_327 : vector<1x256xf32> to vector<128x256xf32>
    %sub3A_330 = arith.subf %sub3A_328, %sub3A_329 : vector<128x256xf32>
    %abs3A_331 = math.absf %sub3A_330 : vector<128x256xf32>
    %add3A_332 = arith.addf %add3A_325, %abs3A_331 : vector<128x256xf32>
    %slice3A_333 = vector.extract_strided_slice %add3A_12 {offsets = [0, 46], sizes = [128, 1], strides = [1, 1]} : vector<128x64xf32> to vector<128x1xf32>
    %slice3A_334 = vector.extract_strided_slice %get3A_8 {offsets = [46, 0], sizes = [1, 256], strides = [1, 1]} : vector<64x256xf32> to vector<1x256xf32>
    %sub3A_335 = vector.broadcast %slice3A_333 : vector<128x1xf32> to vector<128x256xf32>
    %sub3A_336 = vector.broadcast %slice3A_334 : vector<1x256xf32> to vector<128x256xf32>
    %sub3A_337 = arith.subf %sub3A_335, %sub3A_336 : vector<128x256xf32>
    %abs3A_338 = math.absf %sub3A_337 : vector<128x256xf32>
    %add3A_339 = arith.addf %add3A_332, %abs3A_338 : vector<128x256xf32>
    %slice3A_340 = vector.extract_strided_slice %add3A_12 {offsets = [0, 47], sizes = [128, 1], strides = [1, 1]} : vector<128x64xf32> to vector<128x1xf32>
    %slice3A_341 = vector.extract_strided_slice %get3A_8 {offsets = [47, 0], sizes = [1, 256], strides = [1, 1]} : vector<64x256xf32> to vector<1x256xf32>
    %sub3A_342 = vector.broadcast %slice3A_340 : vector<128x1xf32> to vector<128x256xf32>
    %sub3A_343 = vector.broadcast %slice3A_341 : vector<1x256xf32> to vector<128x256xf32>
    %sub3A_344 = arith.subf %sub3A_342, %sub3A_343 : vector<128x256xf32>
    %abs3A_345 = math.absf %sub3A_344 : vector<128x256xf32>
    %add3A_346 = arith.addf %add3A_339, %abs3A_345 : vector<128x256xf32>
    %slice3A_347 = vector.extract_strided_slice %add3A_12 {offsets = [0, 48], sizes = [128, 1], strides = [1, 1]} : vector<128x64xf32> to vector<128x1xf32>
    %slice3A_348 = vector.extract_strided_slice %get3A_8 {offsets = [48, 0], sizes = [1, 256], strides = [1, 1]} : vector<64x256xf32> to vector<1x256xf32>
    %sub3A_349 = vector.broadcast %slice3A_347 : vector<128x1xf32> to vector<128x256xf32>
    %sub3A_350 = vector.broadcast %slice3A_348 : vector<1x256xf32> to vector<128x256xf32>
    %sub3A_351 = arith.subf %sub3A_349, %sub3A_350 : vector<128x256xf32>
    %abs3A_352 = math.absf %sub3A_351 : vector<128x256xf32>
    %add3A_353 = arith.addf %add3A_346, %abs3A_352 : vector<128x256xf32>
    %slice3A_354 = vector.extract_strided_slice %add3A_12 {offsets = [0, 49], sizes = [128, 1], strides = [1, 1]} : vector<128x64xf32> to vector<128x1xf32>
    %slice3A_355 = vector.extract_strided_slice %get3A_8 {offsets = [49, 0], sizes = [1, 256], strides = [1, 1]} : vector<64x256xf32> to vector<1x256xf32>
    %sub3A_356 = vector.broadcast %slice3A_354 : vector<128x1xf32> to vector<128x256xf32>
    %sub3A_357 = vector.broadcast %slice3A_355 : vector<1x256xf32> to vector<128x256xf32>
    %sub3A_358 = arith.subf %sub3A_356, %sub3A_357 : vector<128x256xf32>
    %abs3A_359 = math.absf %sub3A_358 : vector<128x256xf32>
    %add3A_360 = arith.addf %add3A_353, %abs3A_359 : vector<128x256xf32>
    %slice3A_361 = vector.extract_strided_slice %add3A_12 {offsets = [0, 50], sizes = [128, 1], strides = [1, 1]} : vector<128x64xf32> to vector<128x1xf32>
    %slice3A_362 = vector.extract_strided_slice %get3A_8 {offsets = [50, 0], sizes = [1, 256], strides = [1, 1]} : vector<64x256xf32> to vector<1x256xf32>
    %sub3A_363 = vector.broadcast %slice3A_361 : vector<128x1xf32> to vector<128x256xf32>
    %sub3A_364 = vector.broadcast %slice3A_362 : vector<1x256xf32> to vector<128x256xf32>
    %sub3A_365 = arith.subf %sub3A_363, %sub3A_364 : vector<128x256xf32>
    %abs3A_366 = math.absf %sub3A_365 : vector<128x256xf32>
    %add3A_367 = arith.addf %add3A_360, %abs3A_366 : vector<128x256xf32>
    %slice3A_368 = vector.extract_strided_slice %add3A_12 {offsets = [0, 51], sizes = [128, 1], strides = [1, 1]} : vector<128x64xf32> to vector<128x1xf32>
    %slice3A_369 = vector.extract_strided_slice %get3A_8 {offsets = [51, 0], sizes = [1, 256], strides = [1, 1]} : vector<64x256xf32> to vector<1x256xf32>
    %sub3A_370 = vector.broadcast %slice3A_368 : vector<128x1xf32> to vector<128x256xf32>
    %sub3A_371 = vector.broadcast %slice3A_369 : vector<1x256xf32> to vector<128x256xf32>
    %sub3A_372 = arith.subf %sub3A_370, %sub3A_371 : vector<128x256xf32>
    %abs3A_373 = math.absf %sub3A_372 : vector<128x256xf32>
    %add3A_374 = arith.addf %add3A_367, %abs3A_373 : vector<128x256xf32>
    %slice3A_375 = vector.extract_strided_slice %add3A_12 {offsets = [0, 52], sizes = [128, 1], strides = [1, 1]} : vector<128x64xf32> to vector<128x1xf32>
    %slice3A_376 = vector.extract_strided_slice %get3A_8 {offsets = [52, 0], sizes = [1, 256], strides = [1, 1]} : vector<64x256xf32> to vector<1x256xf32>
    %sub3A_377 = vector.broadcast %slice3A_375 : vector<128x1xf32> to vector<128x256xf32>
    %sub3A_378 = vector.broadcast %slice3A_376 : vector<1x256xf32> to vector<128x256xf32>
    %sub3A_379 = arith.subf %sub3A_377, %sub3A_378 : vector<128x256xf32>
    %abs3A_380 = math.absf %sub3A_379 : vector<128x256xf32>
    %add3A_381 = arith.addf %add3A_374, %abs3A_380 : vector<128x256xf32>
    %slice3A_382 = vector.extract_strided_slice %add3A_12 {offsets = [0, 53], sizes = [128, 1], strides = [1, 1]} : vector<128x64xf32> to vector<128x1xf32>
    %slice3A_383 = vector.extract_strided_slice %get3A_8 {offsets = [53, 0], sizes = [1, 256], strides = [1, 1]} : vector<64x256xf32> to vector<1x256xf32>
    %sub3A_384 = vector.broadcast %slice3A_382 : vector<128x1xf32> to vector<128x256xf32>
    %sub3A_385 = vector.broadcast %slice3A_383 : vector<1x256xf32> to vector<128x256xf32>
    %sub3A_386 = arith.subf %sub3A_384, %sub3A_385 : vector<128x256xf32>
    %abs3A_387 = math.absf %sub3A_386 : vector<128x256xf32>
    %add3A_388 = arith.addf %add3A_381, %abs3A_387 : vector<128x256xf32>
    %slice3A_389 = vector.extract_strided_slice %add3A_12 {offsets = [0, 54], sizes = [128, 1], strides = [1, 1]} : vector<128x64xf32> to vector<128x1xf32>
    %slice3A_390 = vector.extract_strided_slice %get3A_8 {offsets = [54, 0], sizes = [1, 256], strides = [1, 1]} : vector<64x256xf32> to vector<1x256xf32>
    %sub3A_391 = vector.broadcast %slice3A_389 : vector<128x1xf32> to vector<128x256xf32>
    %sub3A_392 = vector.broadcast %slice3A_390 : vector<1x256xf32> to vector<128x256xf32>
    %sub3A_393 = arith.subf %sub3A_391, %sub3A_392 : vector<128x256xf32>
    %abs3A_394 = math.absf %sub3A_393 : vector<128x256xf32>
    %add3A_395 = arith.addf %add3A_388, %abs3A_394 : vector<128x256xf32>
    %slice3A_396 = vector.extract_strided_slice %add3A_12 {offsets = [0, 55], sizes = [128, 1], strides = [1, 1]} : vector<128x64xf32> to vector<128x1xf32>
    %slice3A_397 = vector.extract_strided_slice %get3A_8 {offsets = [55, 0], sizes = [1, 256], strides = [1, 1]} : vector<64x256xf32> to vector<1x256xf32>
    %sub3A_398 = vector.broadcast %slice3A_396 : vector<128x1xf32> to vector<128x256xf32>
    %sub3A_399 = vector.broadcast %slice3A_397 : vector<1x256xf32> to vector<128x256xf32>
    %sub3A_400 = arith.subf %sub3A_398, %sub3A_399 : vector<128x256xf32>
    %abs3A_401 = math.absf %sub3A_400 : vector<128x256xf32>
    %add3A_402 = arith.addf %add3A_395, %abs3A_401 : vector<128x256xf32>
    %slice3A_403 = vector.extract_strided_slice %add3A_12 {offsets = [0, 56], sizes = [128, 1], strides = [1, 1]} : vector<128x64xf32> to vector<128x1xf32>
    %slice3A_404 = vector.extract_strided_slice %get3A_8 {offsets = [56, 0], sizes = [1, 256], strides = [1, 1]} : vector<64x256xf32> to vector<1x256xf32>
    %sub3A_405 = vector.broadcast %slice3A_403 : vector<128x1xf32> to vector<128x256xf32>
    %sub3A_406 = vector.broadcast %slice3A_404 : vector<1x256xf32> to vector<128x256xf32>
    %sub3A_407 = arith.subf %sub3A_405, %sub3A_406 : vector<128x256xf32>
    %abs3A_408 = math.absf %sub3A_407 : vector<128x256xf32>
    %add3A_409 = arith.addf %add3A_402, %abs3A_408 : vector<128x256xf32>
    %slice3A_410 = vector.extract_strided_slice %add3A_12 {offsets = [0, 57], sizes = [128, 1], strides = [1, 1]} : vector<128x64xf32> to vector<128x1xf32>
    %slice3A_411 = vector.extract_strided_slice %get3A_8 {offsets = [57, 0], sizes = [1, 256], strides = [1, 1]} : vector<64x256xf32> to vector<1x256xf32>
    %sub3A_412 = vector.broadcast %slice3A_410 : vector<128x1xf32> to vector<128x256xf32>
    %sub3A_413 = vector.broadcast %slice3A_411 : vector<1x256xf32> to vector<128x256xf32>
    %sub3A_414 = arith.subf %sub3A_412, %sub3A_413 : vector<128x256xf32>
    %abs3A_415 = math.absf %sub3A_414 : vector<128x256xf32>
    %add3A_416 = arith.addf %add3A_409, %abs3A_415 : vector<128x256xf32>
    %slice3A_417 = vector.extract_strided_slice %add3A_12 {offsets = [0, 58], sizes = [128, 1], strides = [1, 1]} : vector<128x64xf32> to vector<128x1xf32>
    %slice3A_418 = vector.extract_strided_slice %get3A_8 {offsets = [58, 0], sizes = [1, 256], strides = [1, 1]} : vector<64x256xf32> to vector<1x256xf32>
    %sub3A_419 = vector.broadcast %slice3A_417 : vector<128x1xf32> to vector<128x256xf32>
    %sub3A_420 = vector.broadcast %slice3A_418 : vector<1x256xf32> to vector<128x256xf32>
    %sub3A_421 = arith.subf %sub3A_419, %sub3A_420 : vector<128x256xf32>
    %abs3A_422 = math.absf %sub3A_421 : vector<128x256xf32>
    %add3A_423 = arith.addf %add3A_416, %abs3A_422 : vector<128x256xf32>
    %slice3A_424 = vector.extract_strided_slice %add3A_12 {offsets = [0, 59], sizes = [128, 1], strides = [1, 1]} : vector<128x64xf32> to vector<128x1xf32>
    %slice3A_425 = vector.extract_strided_slice %get3A_8 {offsets = [59, 0], sizes = [1, 256], strides = [1, 1]} : vector<64x256xf32> to vector<1x256xf32>
    %sub3A_426 = vector.broadcast %slice3A_424 : vector<128x1xf32> to vector<128x256xf32>
    %sub3A_427 = vector.broadcast %slice3A_425 : vector<1x256xf32> to vector<128x256xf32>
    %sub3A_428 = arith.subf %sub3A_426, %sub3A_427 : vector<128x256xf32>
    %abs3A_429 = math.absf %sub3A_428 : vector<128x256xf32>
    %add3A_430 = arith.addf %add3A_423, %abs3A_429 : vector<128x256xf32>
    %slice3A_431 = vector.extract_strided_slice %add3A_12 {offsets = [0, 60], sizes = [128, 1], strides = [1, 1]} : vector<128x64xf32> to vector<128x1xf32>
    %slice3A_432 = vector.extract_strided_slice %get3A_8 {offsets = [60, 0], sizes = [1, 256], strides = [1, 1]} : vector<64x256xf32> to vector<1x256xf32>
    %sub3A_433 = vector.broadcast %slice3A_431 : vector<128x1xf32> to vector<128x256xf32>
    %sub3A_434 = vector.broadcast %slice3A_432 : vector<1x256xf32> to vector<128x256xf32>
    %sub3A_435 = arith.subf %sub3A_433, %sub3A_434 : vector<128x256xf32>
    %abs3A_436 = math.absf %sub3A_435 : vector<128x256xf32>
    %add3A_437 = arith.addf %add3A_430, %abs3A_436 : vector<128x256xf32>
    %slice3A_438 = vector.extract_strided_slice %add3A_12 {offsets = [0, 61], sizes = [128, 1], strides = [1, 1]} : vector<128x64xf32> to vector<128x1xf32>
    %slice3A_439 = vector.extract_strided_slice %get3A_8 {offsets = [61, 0], sizes = [1, 256], strides = [1, 1]} : vector<64x256xf32> to vector<1x256xf32>
    %sub3A_440 = vector.broadcast %slice3A_438 : vector<128x1xf32> to vector<128x256xf32>
    %sub3A_441 = vector.broadcast %slice3A_439 : vector<1x256xf32> to vector<128x256xf32>
    %sub3A_442 = arith.subf %sub3A_440, %sub3A_441 : vector<128x256xf32>
    %abs3A_443 = math.absf %sub3A_442 : vector<128x256xf32>
    %add3A_444 = arith.addf %add3A_437, %abs3A_443 : vector<128x256xf32>
    %slice3A_445 = vector.extract_strided_slice %add3A_12 {offsets = [0, 62], sizes = [128, 1], strides = [1, 1]} : vector<128x64xf32> to vector<128x1xf32>
    %slice3A_446 = vector.extract_strided_slice %get3A_8 {offsets = [62, 0], sizes = [1, 256], strides = [1, 1]} : vector<64x256xf32> to vector<1x256xf32>
    %sub3A_447 = vector.broadcast %slice3A_445 : vector<128x1xf32> to vector<128x256xf32>
    %sub3A_448 = vector.broadcast %slice3A_446 : vector<1x256xf32> to vector<128x256xf32>
    %sub3A_449 = arith.subf %sub3A_447, %sub3A_448 : vector<128x256xf32>
    %abs3A_450 = math.absf %sub3A_449 : vector<128x256xf32>
    %add3A_451 = arith.addf %add3A_444, %abs3A_450 : vector<128x256xf32>
    %slice3A_452 = vector.extract_strided_slice %add3A_12 {offsets = [0, 63], sizes = [128, 1], strides = [1, 1]} : vector<128x64xf32> to vector<128x1xf32>
    %slice3A_453 = vector.extract_strided_slice %get3A_8 {offsets = [63, 0], sizes = [1, 256], strides = [1, 1]} : vector<64x256xf32> to vector<1x256xf32>
    %sub3A_454 = vector.broadcast %slice3A_452 : vector<128x1xf32> to vector<128x256xf32>
    %sub3A_455 = vector.broadcast %slice3A_453 : vector<1x256xf32> to vector<128x256xf32>
    %sub3A_456 = arith.subf %sub3A_454, %sub3A_455 : vector<128x256xf32>
    %abs3A_457 = math.absf %sub3A_456 : vector<128x256xf32>
    %add3A_458 = arith.addf %add3A_451, %abs3A_457 : vector<128x256xf32>
    %dot_general3A = arith.constant dense<0.000000e+00> : vector<128x256xf32>
    %dot_general3A_459 = tpu.matmul %get3A_5, %get3A_8, %dot_general3A {dimension_numbers = #tpu.dot_dimension_numbers<[1], [0], [0], [1], [0, 0, 1, 1], [], []>, transpose_lhs_hint = false} : vector<128x64xf32>, vector<64x256xf32>, vector<128x256xf32> -> vector<128x256xf32>
    %add3A_460 = arith.addf %add3A_458, %dot_general3A_459 : vector<128x256xf32>
    %logistic3A = arith.negf %add3A_460 : vector<128x256xf32>
    %logistic3A_461 = math.exp %logistic3A : vector<128x256xf32>
    %logistic3A_462 = arith.constant 1.000000e+00 : f32
    %logistic3A_463 = vector.broadcast %logistic3A_462 : f32 to vector<128x256xf32>
    %logistic3A_464 = arith.addf %logistic3A_463, %logistic3A_461 : vector<128x256xf32>
    %logistic3A_465 = arith.divf %logistic3A_463, %logistic3A_464 : vector<128x256xf32>
    %swap3A = arith.constant 0 : index
    %swap3A_466 = arith.constant 0 : index
    %swap3A_467 = vector.load %arg7[%swap3A, %swap3A_466] : memref<128x256xf32, #tpu.memory_space<vmem>>, vector<128x256xf32>
    tpu.vector_store %arg7[%swap3A, %swap3A_466], %logistic3A_465 {strides = array<i32>} : memref<128x256xf32, #tpu.memory_space<vmem>>, vector<128x256xf32>,
    %eq3A_468 = arith.constant 0 : i32
    %eq3A_469 = arith.cmpi eq, %arg1, %eq3A_468 : i32
    %convert_element_type3A_470 = arith.extui %eq3A_469 : i1 to i32
    %cond3A_471 = arith.constant 0 : i32
    %cond3A_472 = arith.cmpi ne, %convert_element_type3A_470, %cond3A_471 : i32
    scf.if %cond3A_472 {
      %get3A_473 = arith.constant 0 : index
      %get3A_474 = arith.constant 0 : index
      %get3A_475 = vector.load %arg4[%get3A_473, %get3A_474] : memref<128x64xf32, #tpu.memory_space<vmem>>, vector<128x64xf32>
      %mul3A = arith.mulf %get3A_5, %get3A_475 : vector<128x64xf32>
      %reduce_sum3A = arith.constant dense<0.000000e+00> : vector<128xf32>
      %reduce_sum3A_476 = vector.multi_reduction <add>, %mul3A, %reduce_sum3A [1] : vector<128x64xf32> to vector<128xf32>
      %sub3A_477 = arith.subf %add3A_12, %get3A_475 : vector<128x64xf32>
      %abs3A_478 = math.absf %sub3A_477 : vector<128x64xf32>
      %reduce_sum3A_479 = arith.constant dense<0.000000e+00> : vector<128xf32>
      %reduce_sum3A_480 = vector.multi_reduction <add>, %abs3A_478, %reduce_sum3A_479 [1] : vector<128x64xf32> to vector<128xf32>
      %add3A_481 = arith.addf %reduce_sum3A_480, %reduce_sum3A_476 : vector<128xf32>
      %logistic3A_482 = arith.negf %add3A_481 : vector<128xf32>
      %logistic3A_483 = math.exp %logistic3A_482 : vector<128xf32>
      %logistic3A_484 = arith.constant 1.000000e+00 : f32
      %logistic3A_485 = vector.broadcast %logistic3A_484 : f32 to vector<128xf32>
      %logistic3A_486 = arith.addf %logistic3A_485, %logistic3A_483 : vector<128xf32>
      %logistic3A_487 = arith.divf %logistic3A_485, %logistic3A_486 : vector<128xf32>
      %swap3A_488 = arith.constant 0 : index
      %swap3A_489 = vector.load %arg8[%swap3A_488] : memref<128xf32, #tpu.memory_space<vmem>>, vector<128xf32>
      tpu.vector_store %arg8[%swap3A_488], %logistic3A_487 {strides = array<i32>} : memref<128xf32, #tpu.memory_space<vmem>>, vector<128xf32>,
    } else {
    }
    return
  }
  func.func @transform_1(%arg0: i32, %arg1: i32) -> (i32, i32) {
    %c0_i32 = arith.constant 0 : i32
    %c0_i32_0 = arith.constant 0 : i32
    return %arg0, %c0_i32 : i32, i32
  }
  func.func @transform_2(%arg0: i32, %arg1: i32) -> (i32, i32) {
    %c0_i32 = arith.constant 0 : i32
    %c0_i32_0 = arith.constant 0 : i32
    return %arg0, %c0_i32 : i32, i32
  }
  func.func @transform_3(%arg0: i32, %arg1: i32) -> (i32, i32) {
    %c0_i32 = arith.constant 0 : i32
    %c0_i32_0 = arith.constant 0 : i32
    return %c0_i32, %arg1 : i32, i32
  }
  func.func @transform_4(%arg0: i32, %arg1: i32) -> (i32, i32) {
    %c0_i32 = arith.constant 0 : i32
    %c0_i32_0 = arith.constant 0 : i32
    %c0_i32_1 = arith.constant 0 : i32
    return %c0_i32, %c0_i32_0 : i32, i32
  }
  func.func @transform_5(%arg0: i32, %arg1: i32) -> (i32, i32) {
    %c0_i32 = arith.constant 0 : i32
    return %arg0, %arg1 : i32, i32
  }
  func.func @transform_6(%arg0: i32, %arg1: i32) -> i32 {
    %c0_i32 = arith.constant 0 : i32
    return %arg0 : i32
  }
}

</mosaic_0001>

<sc_bundles>
// kernel: kernel.4.cloned.1.call-start
scs
__scs_entry_jumppad:
0x0: {  	(pc) =	sbr.rel $0x88, $3  }
0x1: {  	(tag) =	ssettag $0x0;
	lr =	simm.s32 $0x1  }
0x2: {  	[smem:$0x3F9D] =	sst lr;
	_ =	strace $0xD0000000  }
0x3: {  	_ = 	snop  }
0x4: {  	_ = 	snop  }
0x5: {  	_ = 	snop  }
0x6: {  	_ = 	snop  }
0x7: {  	_ = 	snop  }
__scs_overlays_trampoline_lowered:
0x8: {  	[smem:$0x3FAC] =	sst s0  }
0x9: {  	[smem:$0x3FAD] =	sst s1  }
0xa: {  	[smem:$0x3FAE] =	sst s2  }
0xb: {  	[smem:$0x3FAF] =	sst s3  }
0xc: {  	[smem:$0x3FB0] =	sst s4  }
0xd: {  	[smem:$0x3FB1] =	sst s5  }
0xe: {  	[smem:$0x3FB2] =	sst s6  }
0xf: {  	[smem:$0x3FB3] =	sst s7  }
0x10: {  	[smem:$0x3FB4] =	sst s8  }
0x11: {  	[smem:$0x3FB5] =	sst s9;
	s0 =	simm.s32 @!p0 $0x0  }
0x12: {  	s1 =	sld [smem:$0x3F9B];
	s0 =	simm.s32 @p0 $0x1  }
0x13: {  	[smem:$0x3FB6] =	sst s0;
	s0 =	simm.s32 @!p1 $0x0  }
0x14: {  	s2 =	sld [smem:$0x3F9A];
	s0 =	simm.s32 @p1 $0x1  }
0x15: {  	[smem:$0x3FB7] =	sst s0;
	s0 =	simm.s32 @!p2 $0x0  }
0x16: {  	s3 =	sld [smem:$0x3FDB];
	s0 =	simm.s32 @p2 $0x1  }
0x17: {  	s4 =	simm.s32 $0x1BF5;
	[smem:$0x3FB9] =	sst s0  }
0x18: {  	s0 =	sld [smem:$0x3F9C];
	_ =	swait.ge [sflag:s4], $0x0  }
0x19: {  	s7 =	sld [smem:$0x3F9D]  }
0x1a: {  	s8 =	sadd.s32 $0xFFFFE003, lr  }
0x1b: {  	s9 =	sadd.s32 $0xFFFFFEF7, lr;
	s5 =	simm.s32 $0xFFFFFFFF;
	p2 =	slt.u32 s8, $0xFFFFF086  }
0x1c: {  	p1 =	slt.u32 s9, $0xF7A;
	s5 =	simm.s32 @!p2 $0x0  }
0x1d: {  	s5 =	simm.s32 @p1 $0x1;
	p0 =	seq.s32 s7, s2  }
0x1e: {  	s7 =	smul.u32 @!p0 $0xF7A, s2;
	p2 =	seq.s32 @!p0 s5, $0x0  }
0x1f: {  	s9 =	smul.u32 $0xF7A, s1;
	s8 =	simm.s32 @!p0 $0x1BF5;
	p2 =	por !p2, p0  }
0x20: {  	[sflag:s8] =	ssyncset.s32 @!p0 $0xFFFFF086;
	s6 =	sadd.s32 @!p0 s3, s7;
	s7 =	simm.s32 @!p0 $0x108  }
0x21: {  	s3 =	sadd.s32 s3, s9;
	s6 =	sadd.s32 @!p0 $0x88, s6;
	s7 =	simm.s32 @p2 $0x1082  }
0x22: {  	[simem:s7], [sflag:s8] =	dma.local @!p0 [hbm:s6], $0xF7A  }
0x23: {  	s9 =	sor.u32 $0xD0000000, s2;
	s6 =	simm.s32 $0x108;
	_ =	swait.ge @!p0 [sflag:s8], $0x0  }
0x24: {  	s3 =	sadd.s32 $0x88, s3;
	s6 =	simm.s32 @!p1 $0x1082;
	[sflag:s4] =	ssyncset.s32 $0xFFFFF086  }
0x25: {  	[simem:s6], [sflag:s4] =	dma.local [hbm:s3], $0xF7A  }
0x26: {  	[smem:$0x3F9D] =	sst s1;
	(tag) =	ssettag s2;
	_ =	strace s9  }
0x27: {  	s1 =	sld [smem:$0x3FAD]  }
0x28: {  	s2 =	sld [smem:$0x3FAE]  }
0x29: {  	s4 =	sld [smem:$0x3FB0]  }
0x2a: {  	p0 =	seq.s32 s5, $0x0;
	s5 =	sld [smem:$0x3FB1]  }
0x2b: {  	s6 =	sld [smem:$0x3FB2]  }
0x2c: {  	s7 =	sld [smem:$0x3FB3]  }
0x2d: {  	s3 =	simm.s32 $0x108;
	s8 =	sld [smem:$0x3FB4]  }
0x2e: {  	s3 =	simm.s32 @!p0 $0x1082;
	s9 =	sld [smem:$0x3FB5]  }
0x2f: {  	lr =	sadd.s32 s0, s3;
	s0 =	sld [smem:$0x3FAC]  }
0x30: {  	s3 =	sld [smem:$0x3FAF]  }
0x31: {  	[smem:$0x3FB8] =	sst s10  }
0x32: {  	s10 =	sld [smem:$0x3FB6];
	_ =	sdelay $0x3  }
0x33: {  	p0 =	seq.s32 s10, $0x1;
	s10 =	sld [smem:$0x3FB8];
	_ =	sdelay $0x3  }
0x34: {  	[smem:$0x3FB8] =	sst s10  }
0x35: {  	s10 =	sld [smem:$0x3FB7];
	_ =	sdelay $0x3  }
0x36: {  	p1 =	seq.s32 s10, $0x1;
	s10 =	sld [smem:$0x3FB8];
	_ =	sdelay $0x3  }
0x37: {  	[smem:$0x3FB8] =	sst s10  }
0x38: {  	s10 =	sld [smem:$0x3FB9]  }
0x39: {  	_ = 	snop;
	(pc) =	sbr.ind lr, $3  }
0x3a: {  	_ = 	snop  }
0x3b: {  	_ = 	snop  }
0x3c: {  	p2 =	seq.s32 s10, $0x1;
	s10 =	sld [smem:$0x3FB8]  }
0x3d: {  	_ =	shalt  }
0x3e: {  	_ =	shalt  }
0x3f: {  	_ =	shalt  }
0x40: {  	_ =	shalt  }
0x41: {  	_ =	shalt  }
0x42: {  	_ =	shalt  }
0x43: {  	_ =	shalt  }
0x44: {  	_ =	shalt  }
0x45: {  	_ =	shalt  }
0x46: {  	_ =	shalt  }
0x47: {  	_ =	shalt  }
0x48: {  	_ =	shalt  }
0x49: {  	_ =	shalt  }
0x4a: {  	_ =	shalt  }
0x4b: {  	_ =	shalt  }
0x4c: {  	_ =	shalt  }
0x4d: {  	_ =	shalt  }
0x4e: {  	_ =	shalt  }
0x4f: {  	_ =	shalt  }
0x50: {  	_ =	shalt  }
0x51: {  	_ =	shalt  }
0x52: {  	_ =	shalt  }
0x53: {  	_ =	shalt  }
0x54: {  	_ =	shalt  }
0x55: {  	_ =	shalt  }
0x56: {  	_ =	shalt  }
0x57: {  	_ =	shalt  }
0x58: {  	_ =	shalt  }
0x59: {  	_ =	shalt  }
0x5a: {  	_ =	shalt  }
0x5b: {  	_ =	shalt  }
0x5c: {  	_ =	shalt  }
0x5d: {  	_ =	shalt  }
0x5e: {  	_ =	shalt  }
0x5f: {  	_ =	shalt  }
0x60: {  	_ =	shalt  }
0x61: {  	_ =	shalt  }
0x62: {  	_ =	shalt  }
0x63: {  	_ =	shalt  }
0x64: {  	_ =	shalt  }
0x65: {  	_ =	shalt  }
0x66: {  	_ =	shalt  }
0x67: {  	_ =	shalt  }
0x68: {  	_ =	shalt  }
0x69: {  	_ =	shalt  }
0x6a: {  	_ =	shalt  }
0x6b: {  	_ =	shalt  }
0x6c: {  	_ =	shalt  }
0x6d: {  	_ =	shalt  }
0x6e: {  	_ =	shalt  }
0x6f: {  	_ =	shalt  }
0x70: {  	_ =	shalt  }
0x71: {  	_ =	shalt  }
0x72: {  	_ =	shalt  }
0x73: {  	_ =	shalt  }
0x74: {  	_ =	shalt  }
0x75: {  	_ =	shalt  }
0x76: {  	_ =	shalt  }
0x77: {  	_ =	shalt  }
0x78: {  	_ =	shalt  }
0x79: {  	_ =	shalt  }
0x7a: {  	_ =	shalt  }
0x7b: {  	_ =	shalt  }
0x7c: {  	_ =	shalt  }
0x7d: {  	_ =	shalt  }
0x7e: {  	_ =	shalt  }
0x7f: {  	_ =	shalt  }
0x80: {  	_ =	shalt  }
0x81: {  	_ =	shalt  }
0x82: {  	_ =	shalt  }
0x83: {  	_ =	shalt  }
0x84: {  	_ =	shalt  }
0x85: {  	_ =	shalt  }
0x86: {  	_ =	shalt  }
0x87: {  	_ =	shalt  }
.Lfunc_end0:
.L_simem_size_0:
called_computation_lowered:
.L_overlay_start_0:
0x88: {  	s2 =	sld [smem:$0x3FD9]  }
0x89: {  	s3 =	sld [smem:$0x3FFE];
	_ =	sdelay $0x1  }
0x8a: {  	s1 =	srdreg.scid  }
0x8b: {  	s0 =	sand.u32 $0x1, s1  }
0x8c: {  	s14 =	sshll.u32 s0, $0xA;
	s2 =	sadd.s32 s3, s2  }
0x8d: {  	s2 =	sadd.s32 s2, s14  }
0x8e: {  	[smem:$0x3FC4] =	sst s2  }
0x8f: {  	_ = 	snop  }
0x90: {  	s2 =	sld [smem:$0x3FD0];
	_ =	sdelay $0x2  }
0x91: {  	s15 =	simm.s32 $0xA;
	s4 =	simm.s32 $0x10  }
0x92: {  	[smem:s4], [sflag:s15] =	dma.local [hbm:s2], $0x1  }
0x93: {  	_ =	swait.eq [sflag:s15], $0x1  }
0x94: {  	[sflag:s15] =	ssyncset.done $0x0  }
0x95: {  	[sflag:s15] =	ssyncadd.s32 $0xFFFFFFFF  }
0x96: {  	s16 =	sld [smem:$0x11];
	(tm) =	ssettm $0x1  }
0x97: {  	s17 =	sld [smem:$0x3FFB];
	_ =	sdelay $0x3  }
0x98: {  	_ =	strace s17  }
0x99: {  	s3 =	sld [smem:$0x3FFC];
	_ =	sdelay $0x3  }
0x9a: {  	_ =	strace s3  }
0x9b: {  	s3 =	sld [smem:$0x3FFD];
	_ =	sdelay $0x3  }
0x9c: {  	_ =	strace s3  }
0x9d: {  	_ =	strace $0x8FFFFFFF  }
0x9e: {  	s18 =	sld [smem:$0x3FDB];
	_ =	sdelay $0x1  }
0x9f: {  	s19 =	simm.s32 $_scs_section_size  }
0xa0: {  	s5 =	simm.s32 $_size__tile_overlayer_lowered;
	s6 =	simm.s32 $_tile_overlayer_lowered  }
0xa1: {  	s22 =	simm.s32 $0x1BFF;
	s21 =	sshll.u32 s6, $0x1;
	s3 =	sadd.s32 s19, s18  }
0xa2: {  	s7 =	simm.s32 $0x0;
	s20 =	sshll.u32 s5, $0x1;
	s5 =	sadd.s32 s21, s3  }
0xa3: {  	[timem:s7], [sflag:s22] =	dma.local [hbm:s5], s20  }
0xa4: {  	_ =	swait.ge [sflag:s22], s20  }
0xa5: {  	s4 =	ssub.s32 $0x0, s20;
	[sflag:s22] =	ssyncset.done $0x0  }
0xa6: {  	[sflag:s22] =	ssyncadd.s32 s4;
	_ =	sdelay $0x1  }
0xa7: {  	s23 =	simm.s32 $0x1B8B  }
0xa8: {  	_ =	swait.ge [sflag:s23], $0x1  }
0xa9: {  	[sflag:s23] =	ssyncset.done $0x0  }
0xaa: {  	s25 =	simm.s32 $0x1B8E;
	s24 =	sld [smem:$0x3FFE];
	[sflag:s23] =	ssyncadd.s32 $0xFFFFFFFF  }
0xab: {  	s26 =	simm.s32 $execute0_lowered;
	[smem:$0x3FD2] =	sst s25  }
0xac: {  	s5 =	sshll.u32 s26, $0x1;
	_ =	strace $0x80000046;
	[dreg:$0x1] =	wrdreg $0xFFFFFFFF  }
0xad: {  	s28 =	simm.s32 $_size_execute0_lowered;
	s3 =	sadd.s32 s3, s5;
	[dreg:$0x0] =	wrdreg $0x0  }
0xae: {  	s5 =	sshll.u32 s28, $0x1;
	[dreg:$0x2] =	wrdreg s3  }
0xaf: {  	[dreg:$0x3] =	wrdreg s5  }
0xb0: {  	[dreg:$0x4] =	wrdreg $0xC0  }
0xb1: {  	_ =	task [dreg:s7], $0x5FFFF  }
0xb2: {  	[dreg:$0x1] =	wrdreg $0xFFFFFFFF  }
0xb3: {  	[dreg:$0x0] =	wrdreg $0x60  }
0xb4: {  	[dreg:$0x2] =	wrdreg s24  }
0xb5: {  	[dreg:$0x3] =	wrdreg s16  }
0xb6: {  	[dreg:$0x4] =	wrdreg $0x9  }
0xb7: {  	_ =	task.clear_ibuf [dreg:s7], $0x5FFFF;
	_ =	strace $0x90000046  }
0xb8: {  	s29 =	simm.s32 $0x9;
	_ =	strace $0x80000048  }
0xb9: {  	_ =	swait.ge [sflag:s29], $0x1  }
0xba: {  	[sflag:s29] =	ssyncadd.s32 $0xFFFFFFFF  }
0xbb: {  	_ =	strace $0x90000048  }
0xbc: {  	_ =	sfence  }
0xbd: {  	s30 =	sld [smem:$0x0];
	_ =	sdelay $0x2  }
0xbe: {  	s31 =	sshll.u32 s1, $0xD;
	s1 =	sshrl.u32 s1, $0x2  }
0xbf: {  	s3 =	sand.u32 $0x4000, s31;
	s1 =	sadd.s32 s1, s30  }
0xc0: {  	s0 =	sor.u32 s3, s0;
	s1 =	sshll.u32 s1, $0x11  }
0xc1: {  	s0 =	sor.u32 s1, s0  }
0xc2: {  	s0 =	sadd.s32 $0x8F2B, s0  }
0xc3: {  	[sflag:s0] =	ssyncadd.remote.s32 $0x1  }
0xc4: {  	_ =	sfence.sel $0xFFFF  }
0xc5: {  	[dreg:$0x0] =	wrdreg $0xFFFFFFFF;
	(pc) =	sbr.abs _section_cstart, $3  }
0xc6: {  	[dreg:$0x1] =	wrdreg $0xFFFFFFFF  }
0xc7: {  	_ =	task.clear_ibuf [dreg:s7], $0x2FFFF;
	_ =	strace $0x9FFFFFFF  }
0xc8: {  	(tm) =	ssettm $0x7FFFFFFF  }
0xc9: {  	_ =	shalt  }
tec
execute0_lowered:
.L_overlay_start_1:
0x0: {  	(tag) =	ssettag $0x1  }
0x1: {  	s1 =	srdreg.scid;
	s3 =	rddreg [dreg:$0x0]  }
0x2: {  	s0 =	stileid.u32;
	s5 =	rddreg [dreg:$0x1];
	s4 =	sand.u32 $0x1, s1  }
0x3: {  	s2 =	simm.s32 $0x0;
	s6 =	sshll.u32 s0, $0x7;
	s7 =	sshll.u32 s4, $0x6  }
0x4: {  	s1 =	rddreg [dreg:$0x2];
	s31 =	ssub.s32 $0x2, s4;
	s6 =	sor.u32 s7, s6  }
0x5: {  	[smem:$0x7FF] =	sst s2;
	s8 =	sshrl.u32 s31, $0x1;
	s7 =	sshrl.u32 s6, $0x3  }
0x6: {  	_ =	strace $0x80000047;
	s3 =	sadd.s32 s7, s3;
	s7 =	ssub.s32 s31, s8  }
0x7: {  	s4 =	sadd.s32 $0x400, s3;
	s3 =	simm.s32 $0x1;
	s7 =	smax.u32 s7, $0x1  }
0x8: {  	[tilespmem:s2], [sflag:$0x1] =	stream.linear.gather [hbm4b:s4+s2], $0x40, $0x38;
	[tilespmem:$0x2080] =	vst v63  }
0x9: {  	p0 =	sne.s32 s7, $0x1;
	_ =	swait.ge [sflag:s3], $0x40  }
.Ltmp0:
0xa: {  	s6 =	sshll.u32 s6, $0x4;
	[sflag:s3] =	ssyncset.done $0x0;
	(pc) =	sbr.rel @!p0 .LBB2_2-.Ltmp0, $4  }
0xb: {  	s5 =	sadd.s32 s5, s6;
	s6 =	simm.s32 $0x80;
	[sflag:s3] =	ssyncadd.s32 $0xFFFFFFC0  }
0xc: {  	[hbm4b:s5+s2] =	stream.linear.scatter [tilespmem:s6], [sflag:$0x1], $0x2000, $0x38;
	[tilespmem:$0x2080] =	vst v63  }
0xd: {  	_ =	swait.ge [sflag:s3], $0x2000  }
0xe: {  	s7 =	sadd.s32 $0xFFFFFFFF, s7;
	[sflag:s3] =	ssyncset.done $0x0  }
.LBB2_1:
0xf: {  	p0 =	sne.s32 s7, $0x1;
	s7 =	sadd.s32 $0xFFFFFFFF, s7;
	[sflag:s3] =	ssyncadd.s32 $0xFFFFE000  }
0x10: {  	[tilespmem:s2], [sflag:$0x1] =	stream.linear.gather [hbm4b:s4+s2], $0x40, $0x38;
	[tilespmem:$0x2080] =	vst v63  }
0x11: {  	_ =	swait.ge [sflag:s3], $0x40  }
.Ltmp1:
0x12: {  	[sflag:s3] =	ssyncset.done $0x0;
	(pc) =	sbr.rel @p0 .LBB2_1-.Ltmp1, $4  }
0x13: {  	[sflag:s3] =	ssyncadd.s32 $0xFFFFFFC0  }
0x14: {  	[hbm4b:s5+s2] =	stream.linear.scatter [tilespmem:s6], [sflag:$0x1], $0x2000, $0x38;
	[tilespmem:$0x2080] =	vst v63  }
0x15: {  	_ =	swait.ge [sflag:s3], $0x2000  }
0x16: {  	[sflag:s3] =	ssyncset.done $0x0  }
.LBB2_2:
0x17: {  	[sflag:s3] =	ssyncadd.s32 $0xFFFFE000  }
0x18: {  	_ =	sfence.sel $0x180000  }
0x19: {  	[bflag:$0x0] =	sbarrier.arrive $0xFFFF  }
0x1a: {  	p0 =	sne.s32 s0, $0x0;
	_ =	strace $0x90000047  }
0x1b: {  	s0 =	sadd.s32 @!p0 $0x100000, s1;
	[bflag:$0x2] =	sbarrier.arrive $0xFFFF  }
0x1c: {  	[sflag:s0] =	ssyncadd.tile.s32 @!p0 $0x1;
	_ =	shalt  }
.Lfunc_end2:
_tile_overlayer_lowered:
.L_overlay_start_2:
0x1d: {  	(tag) =	ssettag $0x2  }
0x1e: {  	s0 =	rddreg [dreg:$0x0];
	s2 =	stileid.u32  }
0x1f: {  	s1 =	rddreg [dreg:$0x1];
	p0 =	sne.s32 s2, $0x0  }
0x20: {  	s3 =	rddreg [dreg:$0x2];
	[bflag:$0x3] =	sbarrier.arrive $0xFFFF;
	s2 =	simm.s32 @!p0 $0x1C01  }
0x21: {  	[timem:s3], [sflag:s2] =	dma.local @!p0 [hbm:s0], s1  }
0x22: {  	s0 =	simm.s32 @!p0 $0x1  }
0x23: {  	_ =	swait.ge @!p0 [sflag:s0], s1  }
0x24: {  	s1 =	ssub.s32 @!p0 $0x0, s1;
	[sflag:s0] =	ssyncset.done @!p0 $0x0  }
0x25: {  	[sflag:s0] =	ssyncadd.s32 @!p0 s1  }
0x26: {  	[bflag:$0x3] =	sbarrier.arrive $0xFFFF  }
0x27: {  	_ =	shalt  }

</sc_bundles>
